<compile_context>
chip_gen: v7x
topology: tpu7x:2x2x1
jax: 0.10.2.dev20260603
libtpu: 0.0.44.dev20260713+nightly
codegen_flags: <defaults>
</compile_context>

<pallas_src>
import jax
import jax.numpy as jnp
from jax import lax
from jax.experimental import pallas as pl
from jax.experimental.pallas import tpu as pltpu
from jax.experimental.pallas import tpu_sc as plsc

N_ATOMS_C = 320000
N_MOLS_C = 10000
D = 128

NC = 2
NS = 16
NW = NC * NS

MH = N_MOLS_C // NC
TRASH = 5120
MLOC = 5248
STRIPE = TRASH // NS

CH = 128
NCHT = N_ATOMS_C // CH

MMB = 1280


def _mm_body(x_ref, w_ref, b_ref, o_ref):
    y = jnp.dot(x_ref[...], w_ref[...], preferred_element_type=jnp.float32)
    o_ref[...] = jnp.maximum(y + b_ref[...], 0.0)


def _matmul_relu(x, w, b2):
    n = x.shape[0]
    return pl.pallas_call(
        _mm_body,
        grid=(n // MMB,),
        in_specs=[
            pl.BlockSpec((MMB, D), lambda i: (i, 0)),
            pl.BlockSpec((D, D), lambda i: (0, 0)),
            pl.BlockSpec((1, D), lambda i: (0, 0)),
        ],
        out_specs=pl.BlockSpec((MMB, D), lambda i: (i, 0)),
        out_shape=jax.ShapeDtypeStruct((n, D), jnp.float32),
    )(x, w, b2)


def _sc_body(prop_h, idx_h, meta_h, zrows_h, zhist_h,
             part_h, hists_h,
             acc_sh, idx_v, rows_v, hist_v, meta_v):
    c = lax.axis_index("c")
    s = lax.axis_index("s")
    wid = c * NS + s

    pltpu.sync_copy(meta_h.at[wid], meta_v)
    mv = meta_v[...]
    iota16 = lax.iota(jnp.int32, 16)
    t0 = jnp.sum(jnp.where(iota16 == 0, mv, 0))
    cnt = jnp.sum(jnp.where(iota16 == 1, mv, 0))
    lo_m = c * MH

    pltpu.sync_copy(zhist_h, hist_v)
    pltpu.sync_copy(zrows_h, rows_v)
    z0 = s * STRIPE
    for k in range(STRIPE // 80):
        pltpu.sync_copy(rows_v.at[pl.ds(0, 80), :], acc_sh.at[pl.ds(z0 + k * 80, 80), :])
    pltpu.sync_copy(rows_v, acc_sh.at[pl.ds(TRASH, CH), :])
    plsc.subcore_barrier()

    ones16 = jnp.ones((16,), jnp.float32)

    def body(j, carry):
        base = (t0 + j) * CH
        pltpu.sync_copy(idx_h.at[pl.ds(base, CH)], idx_v)
        pltpu.sync_copy(prop_h.at[pl.ds(base, CH), :], rows_v)
        for g in range(CH // 16):
            iv = idx_v[pl.ds(g * 16, 16)] - lo_m
            ok = (iv >= 0) & (iv < MH)
            ivc = jnp.where(ok, iv, TRASH)
            idx_v[pl.ds(g * 16, 16)] = ivc
            plsc.addupdate_scatter(hist_v, [ivc], ones16)
        pltpu.sync_copy(rows_v, acc_sh.at[idx_v], add=True)
        return carry

    lax.fori_loop(0, cnt, body, 0)
    plsc.subcore_barrier()

    for k in range(STRIPE // 80):
        pltpu.sync_copy(acc_sh.at[pl.ds(z0 + k * 80, 80), :], rows_v.at[pl.ds(0, 80), :])
        pltpu.sync_copy(rows_v.at[pl.ds(0, 80), :], part_h.at[c, pl.ds(z0 + k * 80, 80), :])
    pltpu.sync_copy(hist_v, hists_h.at[wid])


def _sc_segment_sum(prop, idx, meta):
    mesh = plsc.VectorSubcoreMesh(core_axis_name="c", subcore_axis_name="s")
    f = pl.kernel(
        _sc_body,
        out_type=(
            jax.ShapeDtypeStruct((NC, TRASH, D), jnp.float32),
            jax.ShapeDtypeStruct((NW, MLOC), jnp.float32),
        ),
        mesh=mesh,
        compiler_params=pltpu.CompilerParams(needs_layout_passes=False),
        scratch_types=[
            pltpu.VMEM_SHARED((MLOC, D), jnp.float32),
            pltpu.VMEM((CH,), jnp.int32),
            pltpu.VMEM((CH, D), jnp.float32),
            pltpu.VMEM((MLOC,), jnp.float32),
            pltpu.VMEM((16,), jnp.int32),
        ],
    )
    zrows = jnp.zeros((CH, D), jnp.float32)
    zhist = jnp.zeros((MLOC,), jnp.float32)
    return f(prop, idx, meta, zrows, zhist)


def _merge_body(p_ref, h_ref, o_ref):
    cnt = jnp.sum(h_ref[0], axis=1, keepdims=True)
    o_ref[...] = p_ref[0] / jnp.maximum(cnt, 1.0)


def _merge(part, hists3, n_mols):
    mb = 1000
    nb = MH // mb
    return pl.pallas_call(
        _merge_body,
        grid=(n_mols // mb,),
        in_specs=[
            pl.BlockSpec((1, mb, D), lambda i: (i // nb, i % nb, 0)),
            pl.BlockSpec((1, mb, NS), lambda i: (i // nb, i % nb, 0)),
        ],
        out_specs=pl.BlockSpec((mb, D), lambda i: (i, 0)),
        out_shape=jax.ShapeDtypeStruct((n_mols, D), jnp.float32),
    )(part, hists3)


def kernel(vi, atom_mol_batch, N, W, b):
    n_mols = N.shape[0]
    n_atoms = atom_mol_batch.shape[0]
    assert n_atoms == N_ATOMS_C and n_mols == N_MOLS_C and vi.shape[1] == D

    split = jnp.searchsorted(atom_mol_batch, MH).astype(jnp.int32)
    ksplit = split // CH
    lo = jnp.stack([jnp.int32(0), jnp.minimum(ksplit, NCHT)])
    hi = jnp.stack([jnp.minimum(ksplit + 1, NCHT), jnp.int32(NCHT)])
    ln = hi - lo
    s_ids = jnp.arange(NS, dtype=jnp.int32)
    t0 = lo[:, None] + (s_ids[None, :] * ln[:, None]) // NS
    t1 = lo[:, None] + ((s_ids[None, :] + 1) * ln[:, None]) // NS
    meta = jnp.zeros((NW, 16), jnp.int32)
    meta = meta.at[:, 0].set(t0.reshape(-1))
    meta = meta.at[:, 1].set((t1 - t0).reshape(-1))

    atom_prop = _matmul_relu(vi[:-n_mols], W, b.reshape(1, D))
    part, hists = _sc_segment_sum(atom_prop, atom_mol_batch, meta)
    hists3 = hists.reshape(NC, NS, MLOC).transpose(0, 2, 1)
    return _merge(part, hists3, n_mols)

# --- scband reference (transcript-rebuilt; emitter-appended) ---
"""Pipeline reference for scband-global-node-readout-pooling-32195074851226 (READ-ONLY COPY).

The authoritative reference and input builder live on the scoring server;
editing this copy changes nothing except your own understanding.
"""

import jax, jax.numpy as jnp
import numpy as np

N_ATOMS = 320000
N_MOLS = 10000
D_IN = 128
D_OUT = 128


def setup_inputs(seed: int = 0) -> dict:
    key = jax.random.key(seed)
    k1, k2, k3 = jax.random.split(key, 3)
    vi = jax.random.normal(k1, (N_ATOMS + N_MOLS, D_IN), dtype=jnp.float32)
    atom_mol_batch = jnp.sort(jax.random.randint(k2, (N_ATOMS,), 0, N_MOLS, dtype=jnp.int32))
    N = jnp.ones((N_MOLS,), dtype=jnp.int32)
    W = jax.random.normal(k3, (D_IN, D_OUT), dtype=jnp.float32) * (1.0 / np.sqrt(D_IN))
    b = jnp.zeros((D_OUT,), dtype=jnp.float32)
    return {"vi": vi, "atom_mol_batch": atom_mol_batch, "N": N, "W": W, "b": b}


def reference(vi, atom_mol_batch, N, W, b):
    # use_embed == 'atom' path of GlobalNodeReadoutPooling
    n_mols = N.shape[0]
    atom_embed = vi[:-n_mols, :]                      # [N_ATOMS, D_IN]
    # readout_layer ('lin' readout with activation): Linear + activation
    atom_prop = jax.nn.relu(atom_embed @ W + b)       # [N_ATOMS, D_OUT]
    # scatter(reduce='mean', src=atom_prop, index=atom_mol_batch, dim=0)
    sums = jax.ops.segment_sum(atom_prop, atom_mol_batch, num_segments=n_mols)
    counts = jax.ops.segment_sum(jnp.ones((atom_prop.shape[0],), dtype=atom_prop.dtype),
                                 atom_mol_batch, num_segments=n_mols)
    mol_prop = sums / jnp.maximum(counts, 1.0)[:, None]
    return mol_prop

if __name__ == "__main__":
    import jax
    _d = setup_inputs()
    print(jax.jit(kernel)(*tuple(_d.values())))

</pallas_src>

<mosaic_0001>
#map = affine_map<(d0, d1) -> (0, 0)>
#map1 = affine_map<(d0, d1) -> (0)>
#map2 = affine_map<(d0, d1) -> (0, 0, 0)>
module attributes {stable_mosaic.version = 14 : i64} {
  func.func @_sc_body(%arg0: i32, %arg1: i32, %arg2: memref<320000x128xf32, #tpu.memory_space<hbm>>, %arg3: memref<320000xi32, #tpu.memory_space<hbm>>, %arg4: memref<32x16xi32, #tpu.memory_space<hbm>>, %arg5: memref<128x128xf32, #tpu.memory_space<hbm>>, %arg6: memref<5248xf32, #tpu.memory_space<hbm>>, %arg7: memref<2x5120x128xf32, #tpu.memory_space<hbm>>, %arg8: memref<32x5248xf32, #tpu.memory_space<hbm>>, %arg9: memref<5248x128xf32, #tpu.memory_space<vmem_shared>>, %arg10: memref<128xi32, #tpu.memory_space<vmem>>, %arg11: memref<128x128xf32, #tpu.memory_space<vmem>>, %arg12: memref<5248xf32, #tpu.memory_space<vmem>>, %arg13: memref<16xi32, #tpu.memory_space<vmem>>) attributes {dimension_semantics = [#tpu.dimension_semantics<core_parallel>, #tpu.dimension_semantics<subcore_parallel>], iteration_bounds = array<i64: 2, 16>, scalar_prefetch = 0 : i64, scratch_operands = 5 : i64, tpu.core_type = #tpu.core_type<sc_vector_subcore>, window_params = [{transform_indices = #map}, {transform_indices = #map1}, {transform_indices = #map}, {transform_indices = #map}, {transform_indices = #map1}, {transform_indices = #map2}, {transform_indices = #map}]} {
    %mul3A = arith.constant 16 : i32
    %mul3A_0 = arith.muli %arg0, %mul3A : i32
    %add3A = arith.addi %mul3A_0, %arg1 : i32
    "tpu.region"() ({
      %run_scoped3A = tpu.sem_alloc : memref<!tpu.dma_semaphore, #tpu.memory_space<semaphore_mem>>
      %dma_start3A = arith.constant 0 : i32
      %dma_start3A_57 = tpu.memref_slice %arg4[%add3A, %dma_start3A] : memref<32x16xi32, #tpu.memory_space<hbm>> -> memref<1x16xi32, #tpu.memory_space<hbm>>
      %dma_start3A_58 = tpu.memref_squeeze %dma_start3A_57 : memref<1x16xi32, #tpu.memory_space<hbm>> -> memref<16xi32, #tpu.memory_space<hbm>>
      %dma_start3A_59 = arith.constant 0 : i32
      %dma_start3A_60 = tpu.memref_slice %arg4[%add3A, %dma_start3A_59] : memref<32x16xi32, #tpu.memory_space<hbm>> -> memref<1x16xi32, #tpu.memory_space<hbm>>
      %dma_start3A_61 = tpu.memref_squeeze %dma_start3A_60 : memref<1x16xi32, #tpu.memory_space<hbm>> -> memref<16xi32, #tpu.memory_space<hbm>>
      tpu.enqueue_dma source(%dma_start3A_61 : memref<16xi32, #tpu.memory_space<hbm>>) target(%arg13 : memref<16xi32, #tpu.memory_space<vmem>>) target_semaphore(%run_scoped3A : memref<!tpu.dma_semaphore, #tpu.memory_space<semaphore_mem>>)
      %dma_wait3A = arith.constant 0 : i32
      %dma_wait3A_62 = tpu.memref_slice %arg4[%add3A, %dma_wait3A] : memref<32x16xi32, #tpu.memory_space<hbm>> -> memref<1x16xi32, #tpu.memory_space<hbm>>
      %dma_wait3A_63 = tpu.memref_squeeze %dma_wait3A_62 : memref<1x16xi32, #tpu.memory_space<hbm>> -> memref<16xi32, #tpu.memory_space<hbm>>
      %dma_wait3A_64 = arith.constant 0 : i32
      %dma_wait3A_65 = tpu.memref_slice %arg4[%add3A, %dma_wait3A_64] : memref<32x16xi32, #tpu.memory_space<hbm>> -> memref<1x16xi32, #tpu.memory_space<hbm>>
      %dma_wait3A_66 = tpu.memref_squeeze %dma_wait3A_65 : memref<1x16xi32, #tpu.memory_space<hbm>> -> memref<16xi32, #tpu.memory_space<hbm>>
      tpu.wait_dma2 semaphore(%run_scoped3A : memref<!tpu.dma_semaphore, #tpu.memory_space<semaphore_mem>>) src(%dma_wait3A_66 : memref<16xi32, #tpu.memory_space<hbm>>) dst(%arg13 : memref<16xi32, #tpu.memory_space<vmem>>)
      tpu.yield
    }) : () -> ()
    %get3A = arith.constant 0 : index
    %get3A_1 = tpu.vector_load %arg13[%get3A] {strides = array<i32>} : memref<16xi32, #tpu.memory_space<vmem>>, vector<16xi32>,
    %iota3A = tpu.iota {dimensions = array<i32: 0>} : vector<16xi32>
    %eq3A = arith.constant 0 : i32
    %eq3A_2 = vector.broadcast %eq3A : i32 to vector<16xi32>
    %eq3A_3 = arith.cmpi eq, %iota3A, %eq3A_2 : vector<16xi32>
    %jit3A = arith.constant 0 : i32
    %broadcast_in_dim3A = vector.broadcast %jit3A : i32 to vector<16xi32>
    %select_n3A = arith.select %eq3A_3, %get3A_1, %broadcast_in_dim3A : vector<16xi1>, vector<16xi32>
    %reduce_sum3A = arith.constant true
    %reduce_sum3A_4 = vector.broadcast %reduce_sum3A : i1 to vector<16xi1>
    %reduce_sum3A_5 = tpu.scan <sum>, %select_n3A masked %reduce_sum3A_4 : vector<16xi32>, vector<16xi1> -> vector<16xi32>
    %reduce_sum3A_6 = vector.extract %reduce_sum3A_5[15] : i32 from vector<16xi32>
    %eq3A_7 = arith.constant 1 : i32
    %eq3A_8 = vector.broadcast %eq3A_7 : i32 to vector<16xi32>
    %eq3A_9 = arith.cmpi eq, %iota3A, %eq3A_8 : vector<16xi32>
    %jit3A_10 = arith.constant 0 : i32
    %broadcast_in_dim3A_11 = vector.broadcast %jit3A_10 : i32 to vector<16xi32>
    %select_n3A_12 = arith.select %eq3A_9, %get3A_1, %broadcast_in_dim3A_11 : vector<16xi1>, vector<16xi32>
    %reduce_sum3A_13 = arith.constant true
    %reduce_sum3A_14 = vector.broadcast %reduce_sum3A_13 : i1 to vector<16xi1>
    %reduce_sum3A_15 = tpu.scan <sum>, %select_n3A_12 masked %reduce_sum3A_14 : vector<16xi32>, vector<16xi1> -> vector<16xi32>
    %reduce_sum3A_16 = vector.extract %reduce_sum3A_15[15] : i32 from vector<16xi32>
    %mul3A_17 = arith.constant 5000 : i32
    %mul3A_18 = arith.muli %arg0, %mul3A_17 : i32
    "tpu.region"() ({
      %run_scoped3A = tpu.sem_alloc : memref<!tpu.dma_semaphore, #tpu.memory_space<semaphore_mem>>
      tpu.enqueue_dma source(%arg6 : memref<5248xf32, #tpu.memory_space<hbm>>) target(%arg12 : memref<5248xf32, #tpu.memory_space<vmem>>) target_semaphore(%run_scoped3A : memref<!tpu.dma_semaphore, #tpu.memory_space<semaphore_mem>>)
      tpu.wait_dma2 semaphore(%run_scoped3A : memref<!tpu.dma_semaphore, #tpu.memory_space<semaphore_mem>>) src(%arg6 : memref<5248xf32, #tpu.memory_space<hbm>>) dst(%arg12 : memref<5248xf32, #tpu.memory_space<vmem>>)
      tpu.yield
    }) : () -> ()
    "tpu.region"() ({
      %run_scoped3A = tpu.sem_alloc : memref<!tpu.dma_semaphore, #tpu.memory_space<semaphore_mem>>
      tpu.enqueue_dma source(%arg5 : memref<128x128xf32, #tpu.memory_space<hbm>>) target(%arg11 : memref<128x128xf32, #tpu.memory_space<vmem>>) target_semaphore(%run_scoped3A : memref<!tpu.dma_semaphore, #tpu.memory_space<semaphore_mem>>)
      tpu.wait_dma2 semaphore(%run_scoped3A : memref<!tpu.dma_semaphore, #tpu.memory_space<semaphore_mem>>) src(%arg5 : memref<128x128xf32, #tpu.memory_space<hbm>>) dst(%arg11 : memref<128x128xf32, #tpu.memory_space<vmem>>)
      tpu.yield
    }) : () -> ()
    %mul3A_19 = arith.constant 320 : i32
    %mul3A_20 = arith.muli %arg1, %mul3A_19 : i32
    %add3A_21 = arith.constant 0 : i32
    %add3A_22 = arith.addi %mul3A_20, %add3A_21 : i32
    "tpu.region"() ({
      %run_scoped3A = tpu.sem_alloc : memref<!tpu.dma_semaphore, #tpu.memory_space<semaphore_mem>>
      %dma_start3A = arith.constant 0 : i32
      %dma_start3A_57 = arith.constant 0 : i32
      %dma_start3A_58 = tpu.memref_slice %arg11[%dma_start3A, %dma_start3A_57] : memref<128x128xf32, #tpu.memory_space<vmem>> -> memref<80x128xf32, #tpu.memory_space<vmem>>
      %dma_start3A_59 = arith.constant 0 : i32
      %dma_start3A_60 = tpu.memref_slice %arg9[%add3A_22, %dma_start3A_59] : memref<5248x128xf32, #tpu.memory_space<vmem_shared>> -> memref<80x128xf32, #tpu.memory_space<vmem_shared>>
      %dma_start3A_61 = arith.constant 0 : i32
      %dma_start3A_62 = tpu.memref_slice %arg9[%add3A_22, %dma_start3A_61] : memref<5248x128xf32, #tpu.memory_space<vmem_shared>> -> memref<80x128xf32, #tpu.memory_space<vmem_shared>>
      %dma_start3A_63 = arith.constant 0 : i32
      %dma_start3A_64 = arith.constant 0 : i32
      %dma_start3A_65 = tpu.memref_slice %arg11[%dma_start3A_63, %dma_start3A_64] : memref<128x128xf32, #tpu.memory_space<vmem>> -> memref<80x128xf32, #tpu.memory_space<vmem>>
      tpu.enqueue_dma source(%dma_start3A_65 : memref<80x128xf32, #tpu.memory_space<vmem>>) target(%dma_start3A_62 : memref<80x128xf32, #tpu.memory_space<vmem_shared>>) target_semaphore(%run_scoped3A : memref<!tpu.dma_semaphore, #tpu.memory_space<semaphore_mem>>)
      %dma_wait3A = arith.constant 0 : i32
      %dma_wait3A_66 = arith.constant 0 : i32
      %dma_wait3A_67 = tpu.memref_slice %arg11[%dma_wait3A, %dma_wait3A_66] : memref<128x128xf32, #tpu.memory_space<vmem>> -> memref<80x128xf32, #tpu.memory_space<vmem>>
      %dma_wait3A_68 = arith.constant 0 : i32
      %dma_wait3A_69 = tpu.memref_slice %arg9[%add3A_22, %dma_wait3A_68] : memref<5248x128xf32, #tpu.memory_space<vmem_shared>> -> memref<80x128xf32, #tpu.memory_space<vmem_shared>>
      %dma_wait3A_70 = arith.constant 0 : i32
      %dma_wait3A_71 = tpu.memref_slice %arg9[%add3A_22, %dma_wait3A_70] : memref<5248x128xf32, #tpu.memory_space<vmem_shared>> -> memref<80x128xf32, #tpu.memory_space<vmem_shared>>
      %dma_wait3A_72 = arith.constant 0 : i32
      %dma_wait3A_73 = arith.constant 0 : i32
      %dma_wait3A_74 = tpu.memref_slice %arg11[%dma_wait3A_72, %dma_wait3A_73] : memref<128x128xf32, #tpu.memory_space<vmem>> -> memref<80x128xf32, #tpu.memory_space<vmem>>
      tpu.wait_dma2 semaphore(%run_scoped3A : memref<!tpu.dma_semaphore, #tpu.memory_space<semaphore_mem>>) src(%dma_wait3A_74 : memref<80x128xf32, #tpu.memory_space<vmem>>) dst(%dma_wait3A_71 : memref<80x128xf32, #tpu.memory_space<vmem_shared>>)
      tpu.yield
    }) : () -> ()
    %add3A_23 = arith.constant 80 : i32
    %add3A_24 = arith.addi %mul3A_20, %add3A_23 : i32
    "tpu.region"() ({
      %run_scoped3A = tpu.sem_alloc : memref<!tpu.dma_semaphore, #tpu.memory_space<semaphore_mem>>
      %dma_start3A = arith.constant 0 : i32
      %dma_start3A_57 = arith.constant 0 : i32
      %dma_start3A_58 = tpu.memref_slice %arg11[%dma_start3A, %dma_start3A_57] : memref<128x128xf32, #tpu.memory_space<vmem>> -> memref<80x128xf32, #tpu.memory_space<vmem>>
      %dma_start3A_59 = arith.constant 0 : i32
      %dma_start3A_60 = tpu.memref_slice %arg9[%add3A_24, %dma_start3A_59] : memref<5248x128xf32, #tpu.memory_space<vmem_shared>> -> memref<80x128xf32, #tpu.memory_space<vmem_shared>>
      %dma_start3A_61 = arith.constant 0 : i32
      %dma_start3A_62 = tpu.memref_slice %arg9[%add3A_24, %dma_start3A_61] : memref<5248x128xf32, #tpu.memory_space<vmem_shared>> -> memref<80x128xf32, #tpu.memory_space<vmem_shared>>
      %dma_start3A_63 = arith.constant 0 : i32
      %dma_start3A_64 = arith.constant 0 : i32
      %dma_start3A_65 = tpu.memref_slice %arg11[%dma_start3A_63, %dma_start3A_64] : memref<128x128xf32, #tpu.memory_space<vmem>> -> memref<80x128xf32, #tpu.memory_space<vmem>>
      tpu.enqueue_dma source(%dma_start3A_65 : memref<80x128xf32, #tpu.memory_space<vmem>>) target(%dma_start3A_62 : memref<80x128xf32, #tpu.memory_space<vmem_shared>>) target_semaphore(%run_scoped3A : memref<!tpu.dma_semaphore, #tpu.memory_space<semaphore_mem>>)
      %dma_wait3A = arith.constant 0 : i32
      %dma_wait3A_66 = arith.constant 0 : i32
      %dma_wait3A_67 = tpu.memref_slice %arg11[%dma_wait3A, %dma_wait3A_66] : memref<128x128xf32, #tpu.memory_space<vmem>> -> memref<80x128xf32, #tpu.memory_space<vmem>>
      %dma_wait3A_68 = arith.constant 0 : i32
      %dma_wait3A_69 = tpu.memref_slice %arg9[%add3A_24, %dma_wait3A_68] : memref<5248x128xf32, #tpu.memory_space<vmem_shared>> -> memref<80x128xf32, #tpu.memory_space<vmem_shared>>
      %dma_wait3A_70 = arith.constant 0 : i32
      %dma_wait3A_71 = tpu.memref_slice %arg9[%add3A_24, %dma_wait3A_70] : memref<5248x128xf32, #tpu.memory_space<vmem_shared>> -> memref<80x128xf32, #tpu.memory_space<vmem_shared>>
      %dma_wait3A_72 = arith.constant 0 : i32
      %dma_wait3A_73 = arith.constant 0 : i32
      %dma_wait3A_74 = tpu.memref_slice %arg11[%dma_wait3A_72, %dma_wait3A_73] : memref<128x128xf32, #tpu.memory_space<vmem>> -> memref<80x128xf32, #tpu.memory_space<vmem>>
      tpu.wait_dma2 semaphore(%run_scoped3A : memref<!tpu.dma_semaphore, #tpu.memory_space<semaphore_mem>>) src(%dma_wait3A_74 : memref<80x128xf32, #tpu.memory_space<vmem>>) dst(%dma_wait3A_71 : memref<80x128xf32, #tpu.memory_space<vmem_shared>>)
      tpu.yield
    }) : () -> ()
    %add3A_25 = arith.constant 160 : i32
    %add3A_26 = arith.addi %mul3A_20, %add3A_25 : i32
    "tpu.region"() ({
      %run_scoped3A = tpu.sem_alloc : memref<!tpu.dma_semaphore, #tpu.memory_space<semaphore_mem>>
      %dma_start3A = arith.constant 0 : i32
      %dma_start3A_57 = arith.constant 0 : i32
      %dma_start3A_58 = tpu.memref_slice %arg11[%dma_start3A, %dma_start3A_57] : memref<128x128xf32, #tpu.memory_space<vmem>> -> memref<80x128xf32, #tpu.memory_space<vmem>>
      %dma_start3A_59 = arith.constant 0 : i32
      %dma_start3A_60 = tpu.memref_slice %arg9[%add3A_26, %dma_start3A_59] : memref<5248x128xf32, #tpu.memory_space<vmem_shared>> -> memref<80x128xf32, #tpu.memory_space<vmem_shared>>
      %dma_start3A_61 = arith.constant 0 : i32
      %dma_start3A_62 = tpu.memref_slice %arg9[%add3A_26, %dma_start3A_61] : memref<5248x128xf32, #tpu.memory_space<vmem_shared>> -> memref<80x128xf32, #tpu.memory_space<vmem_shared>>
      %dma_start3A_63 = arith.constant 0 : i32
      %dma_start3A_64 = arith.constant 0 : i32
      %dma_start3A_65 = tpu.memref_slice %arg11[%dma_start3A_63, %dma_start3A_64] : memref<128x128xf32, #tpu.memory_space<vmem>> -> memref<80x128xf32, #tpu.memory_space<vmem>>
      tpu.enqueue_dma source(%dma_start3A_65 : memref<80x128xf32, #tpu.memory_space<vmem>>) target(%dma_start3A_62 : memref<80x128xf32, #tpu.memory_space<vmem_shared>>) target_semaphore(%run_scoped3A : memref<!tpu.dma_semaphore, #tpu.memory_space<semaphore_mem>>)
      %dma_wait3A = arith.constant 0 : i32
      %dma_wait3A_66 = arith.constant 0 : i32
      %dma_wait3A_67 = tpu.memref_slice %arg11[%dma_wait3A, %dma_wait3A_66] : memref<128x128xf32, #tpu.memory_space<vmem>> -> memref<80x128xf32, #tpu.memory_space<vmem>>
      %dma_wait3A_68 = arith.constant 0 : i32
      %dma_wait3A_69 = tpu.memref_slice %arg9[%add3A_26, %dma_wait3A_68] : memref<5248x128xf32, #tpu.memory_space<vmem_shared>> -> memref<80x128xf32, #tpu.memory_space<vmem_shared>>
      %dma_wait3A_70 = arith.constant 0 : i32
      %dma_wait3A_71 = tpu.memref_slice %arg9[%add3A_26, %dma_wait3A_70] : memref<5248x128xf32, #tpu.memory_space<vmem_shared>> -> memref<80x128xf32, #tpu.memory_space<vmem_shared>>
      %dma_wait3A_72 = arith.constant 0 : i32
      %dma_wait3A_73 = arith.constant 0 : i32
      %dma_wait3A_74 = tpu.memref_slice %arg11[%dma_wait3A_72, %dma_wait3A_73] : memref<128x128xf32, #tpu.memory_space<vmem>> -> memref<80x128xf32, #tpu.memory_space<vmem>>
      tpu.wait_dma2 semaphore(%run_scoped3A : memref<!tpu.dma_semaphore, #tpu.memory_space<semaphore_mem>>) src(%dma_wait3A_74 : memref<80x128xf32, #tpu.memory_space<vmem>>) dst(%dma_wait3A_71 : memref<80x128xf32, #tpu.memory_space<vmem_shared>>)
      tpu.yield
    }) : () -> ()
    %add3A_27 = arith.constant 240 : i32
    %add3A_28 = arith.addi %mul3A_20, %add3A_27 : i32
    "tpu.region"() ({
      %run_scoped3A = tpu.sem_alloc : memref<!tpu.dma_semaphore, #tpu.memory_space<semaphore_mem>>
      %dma_start3A = arith.constant 0 : i32
      %dma_start3A_57 = arith.constant 0 : i32
      %dma_start3A_58 = tpu.memref_slice %arg11[%dma_start3A, %dma_start3A_57] : memref<128x128xf32, #tpu.memory_space<vmem>> -> memref<80x128xf32, #tpu.memory_space<vmem>>
      %dma_start3A_59 = arith.constant 0 : i32
      %dma_start3A_60 = tpu.memref_slice %arg9[%add3A_28, %dma_start3A_59] : memref<5248x128xf32, #tpu.memory_space<vmem_shared>> -> memref<80x128xf32, #tpu.memory_space<vmem_shared>>
      %dma_start3A_61 = arith.constant 0 : i32
      %dma_start3A_62 = tpu.memref_slice %arg9[%add3A_28, %dma_start3A_61] : memref<5248x128xf32, #tpu.memory_space<vmem_shared>> -> memref<80x128xf32, #tpu.memory_space<vmem_shared>>
      %dma_start3A_63 = arith.constant 0 : i32
      %dma_start3A_64 = arith.constant 0 : i32
      %dma_start3A_65 = tpu.memref_slice %arg11[%dma_start3A_63, %dma_start3A_64] : memref<128x128xf32, #tpu.memory_space<vmem>> -> memref<80x128xf32, #tpu.memory_space<vmem>>
      tpu.enqueue_dma source(%dma_start3A_65 : memref<80x128xf32, #tpu.memory_space<vmem>>) target(%dma_start3A_62 : memref<80x128xf32, #tpu.memory_space<vmem_shared>>) target_semaphore(%run_scoped3A : memref<!tpu.dma_semaphore, #tpu.memory_space<semaphore_mem>>)
      %dma_wait3A = arith.constant 0 : i32
      %dma_wait3A_66 = arith.constant 0 : i32
      %dma_wait3A_67 = tpu.memref_slice %arg11[%dma_wait3A, %dma_wait3A_66] : memref<128x128xf32, #tpu.memory_space<vmem>> -> memref<80x128xf32, #tpu.memory_space<vmem>>
      %dma_wait3A_68 = arith.constant 0 : i32
      %dma_wait3A_69 = tpu.memref_slice %arg9[%add3A_28, %dma_wait3A_68] : memref<5248x128xf32, #tpu.memory_space<vmem_shared>> -> memref<80x128xf32, #tpu.memory_space<vmem_shared>>
      %dma_wait3A_70 = arith.constant 0 : i32
      %dma_wait3A_71 = tpu.memref_slice %arg9[%add3A_28, %dma_wait3A_70] : memref<5248x128xf32, #tpu.memory_space<vmem_shared>> -> memref<80x128xf32, #tpu.memory_space<vmem_shared>>
      %dma_wait3A_72 = arith.constant 0 : i32
      %dma_wait3A_73 = arith.constant 0 : i32
      %dma_wait3A_74 = tpu.memref_slice %arg11[%dma_wait3A_72, %dma_wait3A_73] : memref<128x128xf32, #tpu.memory_space<vmem>> -> memref<80x128xf32, #tpu.memory_space<vmem>>
      tpu.wait_dma2 semaphore(%run_scoped3A : memref<!tpu.dma_semaphore, #tpu.memory_space<semaphore_mem>>) src(%dma_wait3A_74 : memref<80x128xf32, #tpu.memory_space<vmem>>) dst(%dma_wait3A_71 : memref<80x128xf32, #tpu.memory_space<vmem_shared>>)
      tpu.yield
    }) : () -> ()
    "tpu.region"() ({
      %run_scoped3A = tpu.sem_alloc : memref<!tpu.dma_semaphore, #tpu.memory_space<semaphore_mem>>
      %dma_start3A = arith.constant 5120 : i32
      %dma_start3A_57 = arith.constant 0 : i32
      %dma_start3A_58 = tpu.memref_slice %arg9[%dma_start3A, %dma_start3A_57] : memref<5248x128xf32, #tpu.memory_space<vmem_shared>> -> memref<128x128xf32, #tpu.memory_space<vmem_shared>>
      %dma_start3A_59 = arith.constant 5120 : i32
      %dma_start3A_60 = arith.constant 0 : i32
      %dma_start3A_61 = tpu.memref_slice %arg9[%dma_start3A_59, %dma_start3A_60] : memref<5248x128xf32, #tpu.memory_space<vmem_shared>> -> memref<128x128xf32, #tpu.memory_space<vmem_shared>>
      tpu.enqueue_dma source(%arg11 : memref<128x128xf32, #tpu.memory_space<vmem>>) target(%dma_start3A_61 : memref<128x128xf32, #tpu.memory_space<vmem_shared>>) target_semaphore(%run_scoped3A : memref<!tpu.dma_semaphore, #tpu.memory_space<semaphore_mem>>)
      %dma_wait3A = arith.constant 5120 : i32
      %dma_wait3A_62 = arith.constant 0 : i32
      %dma_wait3A_63 = tpu.memref_slice %arg9[%dma_wait3A, %dma_wait3A_62] : memref<5248x128xf32, #tpu.memory_space<vmem_shared>> -> memref<128x128xf32, #tpu.memory_space<vmem_shared>>
      %dma_wait3A_64 = arith.constant 5120 : i32
      %dma_wait3A_65 = arith.constant 0 : i32
      %dma_wait3A_66 = tpu.memref_slice %arg9[%dma_wait3A_64, %dma_wait3A_65] : memref<5248x128xf32, #tpu.memory_space<vmem_shared>> -> memref<128x128xf32, #tpu.memory_space<vmem_shared>>
      tpu.wait_dma2 semaphore(%run_scoped3A : memref<!tpu.dma_semaphore, #tpu.memory_space<semaphore_mem>>) src(%arg11 : memref<128x128xf32, #tpu.memory_space<vmem>>) dst(%dma_wait3A_66 : memref<128x128xf32, #tpu.memory_space<vmem_shared>>)
      tpu.yield
    }) : () -> ()
    %barrier3A = arith.constant 0 : index
    tpu.barrier barrier_id(%barrier3A)
    %broadcast_in_dim3A_29 = arith.constant 1.000000e+00 : f32
    %broadcast_in_dim3A_30 = vector.broadcast %broadcast_in_dim3A_29 : f32 to vector<16xf32>
    %while3A = arith.constant 0 : i32
    %while3A_31 = arith.constant 0 : i32
    %while3A_32 = arith.subi %reduce_sum3A_16, %while3A_31 : i32
    %while3A_33 = arith.addi %while3A_31, %while3A_32 : i32
    %while3A_34 = arith.constant 1 : i32
    %while3A_35 = arith.divsi %while3A_32, %while3A_34 : i32
    %while3A_36 = arith.muli %while3A_35, %while3A_34 : i32
    %while3A_37 = arith.addi %while3A_31, %while3A_36 : i32
    %while3A_38 = arith.constant 1 : i32
    scf.for %while3A_57 = %while3A_31 to %while3A_37 step %while3A_38  : i32 {
      %add3A_58 = arith.addi %reduce_sum3A_6, %while3A_57 : i32
      %mul3A_59 = arith.constant 128 : i32
      %mul3A_60 = arith.muli %add3A_58, %mul3A_59 : i32
      "tpu.region"() ({
        %run_scoped3A = tpu.sem_alloc : memref<!tpu.dma_semaphore, #tpu.memory_space<semaphore_mem>>
        %dma_start3A = tpu.memref_slice %arg3[%mul3A_60] : memref<320000xi32, #tpu.memory_space<hbm>> -> memref<128xi32, #tpu.memory_space<hbm>>
        %dma_start3A_184 = tpu.memref_slice %arg3[%mul3A_60] : memref<320000xi32, #tpu.memory_space<hbm>> -> memref<128xi32, #tpu.memory_space<hbm>>
        tpu.enqueue_dma source(%dma_start3A_184 : memref<128xi32, #tpu.memory_space<hbm>>) target(%arg10 : memref<128xi32, #tpu.memory_space<vmem>>) target_semaphore(%run_scoped3A : memref<!tpu.dma_semaphore, #tpu.memory_space<semaphore_mem>>)
        %dma_wait3A = tpu.memref_slice %arg3[%mul3A_60] : memref<320000xi32, #tpu.memory_space<hbm>> -> memref<128xi32, #tpu.memory_space<hbm>>
        %dma_wait3A_185 = tpu.memref_slice %arg3[%mul3A_60] : memref<320000xi32, #tpu.memory_space<hbm>> -> memref<128xi32, #tpu.memory_space<hbm>>
        tpu.wait_dma2 semaphore(%run_scoped3A : memref<!tpu.dma_semaphore, #tpu.memory_space<semaphore_mem>>) src(%dma_wait3A_185 : memref<128xi32, #tpu.memory_space<hbm>>) dst(%arg10 : memref<128xi32, #tpu.memory_space<vmem>>)
        tpu.yield
      }) : () -> ()
      "tpu.region"() ({
        %run_scoped3A = tpu.sem_alloc : memref<!tpu.dma_semaphore, #tpu.memory_space<semaphore_mem>>
        %dma_start3A = arith.constant 0 : i32
        %dma_start3A_184 = tpu.memref_slice %arg2[%mul3A_60, %dma_start3A] : memref<320000x128xf32, #tpu.memory_space<hbm>> -> memref<128x128xf32, #tpu.memory_space<hbm>>
        %dma_start3A_185 = arith.constant 0 : i32
        %dma_start3A_186 = tpu.memref_slice %arg2[%mul3A_60, %dma_start3A_185] : memref<320000x128xf32, #tpu.memory_space<hbm>> -> memref<128x128xf32, #tpu.memory_space<hbm>>
        tpu.enqueue_dma source(%dma_start3A_186 : memref<128x128xf32, #tpu.memory_space<hbm>>) target(%arg11 : memref<128x128xf32, #tpu.memory_space<vmem>>) target_semaphore(%run_scoped3A : memref<!tpu.dma_semaphore, #tpu.memory_space<semaphore_mem>>)
        %dma_wait3A = arith.constant 0 : i32
        %dma_wait3A_187 = tpu.memref_slice %arg2[%mul3A_60, %dma_wait3A] : memref<320000x128xf32, #tpu.memory_space<hbm>> -> memref<128x128xf32, #tpu.memory_space<hbm>>
        %dma_wait3A_188 = arith.constant 0 : i32
        %dma_wait3A_189 = tpu.memref_slice %arg2[%mul3A_60, %dma_wait3A_188] : memref<320000x128xf32, #tpu.memory_space<hbm>> -> memref<128x128xf32, #tpu.memory_space<hbm>>
        tpu.wait_dma2 semaphore(%run_scoped3A : memref<!tpu.dma_semaphore, #tpu.memory_space<semaphore_mem>>) src(%dma_wait3A_189 : memref<128x128xf32, #tpu.memory_space<hbm>>) dst(%arg11 : memref<128x128xf32, #tpu.memory_space<vmem>>)
        tpu.yield
      }) : () -> ()
      %get3A_61 = arith.constant 0 : index
      %get3A_62 = tpu.vector_load %arg10[%get3A_61] {strides = array<i32>} : memref<128xi32, #tpu.memory_space<vmem>>, vector<16xi32>,
      %sub3A = vector.broadcast %mul3A_18 : i32 to vector<16xi32>
      %sub3A_63 = arith.subi %get3A_62, %sub3A : vector<16xi32>
      %ge3A = arith.constant 0 : i32
      %ge3A_64 = vector.broadcast %ge3A : i32 to vector<16xi32>
      %ge3A_65 = arith.cmpi sge, %sub3A_63, %ge3A_64 : vector<16xi32>
      %lt3A = arith.constant 5000 : i32
      %lt3A_66 = vector.broadcast %lt3A : i32 to vector<16xi32>
      %lt3A_67 = arith.cmpi slt, %sub3A_63, %lt3A_66 : vector<16xi32>
      %and3A = arith.andi %ge3A_65, %lt3A_67 : vector<16xi1>
      %jit3A_68 = arith.constant 5120 : i32
      %broadcast_in_dim3A_69 = vector.broadcast %jit3A_68 : i32 to vector<16xi32>
      %select_n3A_70 = arith.select %and3A, %sub3A_63, %broadcast_in_dim3A_69 : vector<16xi1>, vector<16xi32>
      %swap3A = arith.constant 0 : index
      %swap3A_71 = tpu.vector_load %arg10[%swap3A] {strides = array<i32>} : memref<128xi32, #tpu.memory_space<vmem>>, vector<16xi32>,
      tpu.vector_store %arg10[%swap3A], %select_n3A_70 {strides = array<i32>} : memref<128xi32, #tpu.memory_space<vmem>>, vector<16xi32>,
      tpu.vector_store_idx %arg12[%select_n3A_70], %broadcast_in_dim3A_30 {add = true} : memref<5248xf32, #tpu.memory_space<vmem>>[vector<16xi32>], vector<16xf32>,
      %get3A_72 = arith.constant 16 : index
      %get3A_73 = tpu.vector_load %arg10[%get3A_72] {strides = array<i32>} : memref<128xi32, #tpu.memory_space<vmem>>, vector<16xi32>,
      %sub3A_74 = vector.broadcast %mul3A_18 : i32 to vector<16xi32>
      %sub3A_75 = arith.subi %get3A_73, %sub3A_74 : vector<16xi32>
      %ge3A_76 = arith.constant 0 : i32
      %ge3A_77 = vector.broadcast %ge3A_76 : i32 to vector<16xi32>
      %ge3A_78 = arith.cmpi sge, %sub3A_75, %ge3A_77 : vector<16xi32>
      %lt3A_79 = arith.constant 5000 : i32
      %lt3A_80 = vector.broadcast %lt3A_79 : i32 to vector<16xi32>
      %lt3A_81 = arith.cmpi slt, %sub3A_75, %lt3A_80 : vector<16xi32>
      %and3A_82 = arith.andi %ge3A_78, %lt3A_81 : vector<16xi1>
      %jit3A_83 = arith.constant 5120 : i32
      %broadcast_in_dim3A_84 = vector.broadcast %jit3A_83 : i32 to vector<16xi32>
      %select_n3A_85 = arith.select %and3A_82, %sub3A_75, %broadcast_in_dim3A_84 : vector<16xi1>, vector<16xi32>
      %swap3A_86 = arith.constant 16 : index
      %swap3A_87 = tpu.vector_load %arg10[%swap3A_86] {strides = array<i32>} : memref<128xi32, #tpu.memory_space<vmem>>, vector<16xi32>,
      tpu.vector_store %arg10[%swap3A_86], %select_n3A_85 {strides = array<i32>} : memref<128xi32, #tpu.memory_space<vmem>>, vector<16xi32>,
      tpu.vector_store_idx %arg12[%select_n3A_85], %broadcast_in_dim3A_30 {add = true} : memref<5248xf32, #tpu.memory_space<vmem>>[vector<16xi32>], vector<16xf32>,
      %get3A_88 = arith.constant 32 : index
      %get3A_89 = tpu.vector_load %arg10[%get3A_88] {strides = array<i32>} : memref<128xi32, #tpu.memory_space<vmem>>, vector<16xi32>,
      %sub3A_90 = vector.broadcast %mul3A_18 : i32 to vector<16xi32>
      %sub3A_91 = arith.subi %get3A_89, %sub3A_90 : vector<16xi32>
      %ge3A_92 = arith.constant 0 : i32
      %ge3A_93 = vector.broadcast %ge3A_92 : i32 to vector<16xi32>
      %ge3A_94 = arith.cmpi sge, %sub3A_91, %ge3A_93 : vector<16xi32>
      %lt3A_95 = arith.constant 5000 : i32
      %lt3A_96 = vector.broadcast %lt3A_95 : i32 to vector<16xi32>
      %lt3A_97 = arith.cmpi slt, %sub3A_91, %lt3A_96 : vector<16xi32>
      %and3A_98 = arith.andi %ge3A_94, %lt3A_97 : vector<16xi1>
      %jit3A_99 = arith.constant 5120 : i32
      %broadcast_in_dim3A_100 = vector.broadcast %jit3A_99 : i32 to vector<16xi32>
      %select_n3A_101 = arith.select %and3A_98, %sub3A_91, %broadcast_in_dim3A_100 : vector<16xi1>, vector<16xi32>
      %swap3A_102 = arith.constant 32 : index
      %swap3A_103 = tpu.vector_load %arg10[%swap3A_102] {strides = array<i32>} : memref<128xi32, #tpu.memory_space<vmem>>, vector<16xi32>,
      tpu.vector_store %arg10[%swap3A_102], %select_n3A_101 {strides = array<i32>} : memref<128xi32, #tpu.memory_space<vmem>>, vector<16xi32>,
      tpu.vector_store_idx %arg12[%select_n3A_101], %broadcast_in_dim3A_30 {add = true} : memref<5248xf32, #tpu.memory_space<vmem>>[vector<16xi32>], vector<16xf32>,
      %get3A_104 = arith.constant 48 : index
      %get3A_105 = tpu.vector_load %arg10[%get3A_104] {strides = array<i32>} : memref<128xi32, #tpu.memory_space<vmem>>, vector<16xi32>,
      %sub3A_106 = vector.broadcast %mul3A_18 : i32 to vector<16xi32>
      %sub3A_107 = arith.subi %get3A_105, %sub3A_106 : vector<16xi32>
      %ge3A_108 = arith.constant 0 : i32
      %ge3A_109 = vector.broadcast %ge3A_108 : i32 to vector<16xi32>
      %ge3A_110 = arith.cmpi sge, %sub3A_107, %ge3A_109 : vector<16xi32>
      %lt3A_111 = arith.constant 5000 : i32
      %lt3A_112 = vector.broadcast %lt3A_111 : i32 to vector<16xi32>
      %lt3A_113 = arith.cmpi slt, %sub3A_107, %lt3A_112 : vector<16xi32>
      %and3A_114 = arith.andi %ge3A_110, %lt3A_113 : vector<16xi1>
      %jit3A_115 = arith.constant 5120 : i32
      %broadcast_in_dim3A_116 = vector.broadcast %jit3A_115 : i32 to vector<16xi32>
      %select_n3A_117 = arith.select %and3A_114, %sub3A_107, %broadcast_in_dim3A_116 : vector<16xi1>, vector<16xi32>
      %swap3A_118 = arith.constant 48 : index
      %swap3A_119 = tpu.vector_load %arg10[%swap3A_118] {strides = array<i32>} : memref<128xi32, #tpu.memory_space<vmem>>, vector<16xi32>,
      tpu.vector_store %arg10[%swap3A_118], %select_n3A_117 {strides = array<i32>} : memref<128xi32, #tpu.memory_space<vmem>>, vector<16xi32>,
      tpu.vector_store_idx %arg12[%select_n3A_117], %broadcast_in_dim3A_30 {add = true} : memref<5248xf32, #tpu.memory_space<vmem>>[vector<16xi32>], vector<16xf32>,
      %get3A_120 = arith.constant 64 : index
      %get3A_121 = tpu.vector_load %arg10[%get3A_120] {strides = array<i32>} : memref<128xi32, #tpu.memory_space<vmem>>, vector<16xi32>,
      %sub3A_122 = vector.broadcast %mul3A_18 : i32 to vector<16xi32>
      %sub3A_123 = arith.subi %get3A_121, %sub3A_122 : vector<16xi32>
      %ge3A_124 = arith.constant 0 : i32
      %ge3A_125 = vector.broadcast %ge3A_124 : i32 to vector<16xi32>
      %ge3A_126 = arith.cmpi sge, %sub3A_123, %ge3A_125 : vector<16xi32>
      %lt3A_127 = arith.constant 5000 : i32
      %lt3A_128 = vector.broadcast %lt3A_127 : i32 to vector<16xi32>
      %lt3A_129 = arith.cmpi slt, %sub3A_123, %lt3A_128 : vector<16xi32>
      %and3A_130 = arith.andi %ge3A_126, %lt3A_129 : vector<16xi1>
      %jit3A_131 = arith.constant 5120 : i32
      %broadcast_in_dim3A_132 = vector.broadcast %jit3A_131 : i32 to vector<16xi32>
      %select_n3A_133 = arith.select %and3A_130, %sub3A_123, %broadcast_in_dim3A_132 : vector<16xi1>, vector<16xi32>
      %swap3A_134 = arith.constant 64 : index
      %swap3A_135 = tpu.vector_load %arg10[%swap3A_134] {strides = array<i32>} : memref<128xi32, #tpu.memory_space<vmem>>, vector<16xi32>,
      tpu.vector_store %arg10[%swap3A_134], %select_n3A_133 {strides = array<i32>} : memref<128xi32, #tpu.memory_space<vmem>>, vector<16xi32>,
      tpu.vector_store_idx %arg12[%select_n3A_133], %broadcast_in_dim3A_30 {add = true} : memref<5248xf32, #tpu.memory_space<vmem>>[vector<16xi32>], vector<16xf32>,
      %get3A_136 = arith.constant 80 : index
      %get3A_137 = tpu.vector_load %arg10[%get3A_136] {strides = array<i32>} : memref<128xi32, #tpu.memory_space<vmem>>, vector<16xi32>,
      %sub3A_138 = vector.broadcast %mul3A_18 : i32 to vector<16xi32>
      %sub3A_139 = arith.subi %get3A_137, %sub3A_138 : vector<16xi32>
      %ge3A_140 = arith.constant 0 : i32
      %ge3A_141 = vector.broadcast %ge3A_140 : i32 to vector<16xi32>
      %ge3A_142 = arith.cmpi sge, %sub3A_139, %ge3A_141 : vector<16xi32>
      %lt3A_143 = arith.constant 5000 : i32
      %lt3A_144 = vector.broadcast %lt3A_143 : i32 to vector<16xi32>
      %lt3A_145 = arith.cmpi slt, %sub3A_139, %lt3A_144 : vector<16xi32>
      %and3A_146 = arith.andi %ge3A_142, %lt3A_145 : vector<16xi1>
      %jit3A_147 = arith.constant 5120 : i32
      %broadcast_in_dim3A_148 = vector.broadcast %jit3A_147 : i32 to vector<16xi32>
      %select_n3A_149 = arith.select %and3A_146, %sub3A_139, %broadcast_in_dim3A_148 : vector<16xi1>, vector<16xi32>
      %swap3A_150 = arith.constant 80 : index
      %swap3A_151 = tpu.vector_load %arg10[%swap3A_150] {strides = array<i32>} : memref<128xi32, #tpu.memory_space<vmem>>, vector<16xi32>,
      tpu.vector_store %arg10[%swap3A_150], %select_n3A_149 {strides = array<i32>} : memref<128xi32, #tpu.memory_space<vmem>>, vector<16xi32>,
      tpu.vector_store_idx %arg12[%select_n3A_149], %broadcast_in_dim3A_30 {add = true} : memref<5248xf32, #tpu.memory_space<vmem>>[vector<16xi32>], vector<16xf32>,
      %get3A_152 = arith.constant 96 : index
      %get3A_153 = tpu.vector_load %arg10[%get3A_152] {strides = array<i32>} : memref<128xi32, #tpu.memory_space<vmem>>, vector<16xi32>,
      %sub3A_154 = vector.broadcast %mul3A_18 : i32 to vector<16xi32>
      %sub3A_155 = arith.subi %get3A_153, %sub3A_154 : vector<16xi32>
      %ge3A_156 = arith.constant 0 : i32
      %ge3A_157 = vector.broadcast %ge3A_156 : i32 to vector<16xi32>
      %ge3A_158 = arith.cmpi sge, %sub3A_155, %ge3A_157 : vector<16xi32>
      %lt3A_159 = arith.constant 5000 : i32
      %lt3A_160 = vector.broadcast %lt3A_159 : i32 to vector<16xi32>
      %lt3A_161 = arith.cmpi slt, %sub3A_155, %lt3A_160 : vector<16xi32>
      %and3A_162 = arith.andi %ge3A_158, %lt3A_161 : vector<16xi1>
      %jit3A_163 = arith.constant 5120 : i32
      %broadcast_in_dim3A_164 = vector.broadcast %jit3A_163 : i32 to vector<16xi32>
      %select_n3A_165 = arith.select %and3A_162, %sub3A_155, %broadcast_in_dim3A_164 : vector<16xi1>, vector<16xi32>
      %swap3A_166 = arith.constant 96 : index
      %swap3A_167 = tpu.vector_load %arg10[%swap3A_166] {strides = array<i32>} : memref<128xi32, #tpu.memory_space<vmem>>, vector<16xi32>,
      tpu.vector_store %arg10[%swap3A_166], %select_n3A_165 {strides = array<i32>} : memref<128xi32, #tpu.memory_space<vmem>>, vector<16xi32>,
      tpu.vector_store_idx %arg12[%select_n3A_165], %broadcast_in_dim3A_30 {add = true} : memref<5248xf32, #tpu.memory_space<vmem>>[vector<16xi32>], vector<16xf32>,
      %get3A_168 = arith.constant 112 : index
      %get3A_169 = tpu.vector_load %arg10[%get3A_168] {strides = array<i32>} : memref<128xi32, #tpu.memory_space<vmem>>, vector<16xi32>,
      %sub3A_170 = vector.broadcast %mul3A_18 : i32 to vector<16xi32>
      %sub3A_171 = arith.subi %get3A_169, %sub3A_170 : vector<16xi32>
      %ge3A_172 = arith.constant 0 : i32
      %ge3A_173 = vector.broadcast %ge3A_172 : i32 to vector<16xi32>
      %ge3A_174 = arith.cmpi sge, %sub3A_171, %ge3A_173 : vector<16xi32>
      %lt3A_175 = arith.constant 5000 : i32
      %lt3A_176 = vector.broadcast %lt3A_175 : i32 to vector<16xi32>
      %lt3A_177 = arith.cmpi slt, %sub3A_171, %lt3A_176 : vector<16xi32>
      %and3A_178 = arith.andi %ge3A_174, %lt3A_177 : vector<16xi1>
      %jit3A_179 = arith.constant 5120 : i32
      %broadcast_in_dim3A_180 = vector.broadcast %jit3A_179 : i32 to vector<16xi32>
      %select_n3A_181 = arith.select %and3A_178, %sub3A_171, %broadcast_in_dim3A_180 : vector<16xi1>, vector<16xi32>
      %swap3A_182 = arith.constant 112 : index
      %swap3A_183 = tpu.vector_load %arg10[%swap3A_182] {strides = array<i32>} : memref<128xi32, #tpu.memory_space<vmem>>, vector<16xi32>,
      tpu.vector_store %arg10[%swap3A_182], %select_n3A_181 {strides = array<i32>} : memref<128xi32, #tpu.memory_space<vmem>>, vector<16xi32>,
      tpu.vector_store_idx %arg12[%select_n3A_181], %broadcast_in_dim3A_30 {add = true} : memref<5248xf32, #tpu.memory_space<vmem>>[vector<16xi32>], vector<16xf32>,
      "tpu.region"() ({
        %run_scoped3A = tpu.sem_alloc : memref<!tpu.dma_semaphore, #tpu.memory_space<semaphore_mem>>
        %dma_start3A = arith.constant 0 : i32
        %dma_start3A_184 = arith.constant 0 : i32
        %dma_start3A_185 = tpu.memref_slice %arg9[%dma_start3A, %dma_start3A_184] : memref<5248x128xf32, #tpu.memory_space<vmem_shared>> -> memref<5248x128xf32, #tpu.memory_space<vmem_shared>>
        tpu.enqueue_indirect_dma source(%arg11 : memref<128x128xf32, #tpu.memory_space<vmem>>) target(%dma_start3A_185 : memref<5248x128xf32, #tpu.memory_space<vmem_shared>>) offsets(%arg10 : memref<128xi32, #tpu.memory_space<vmem>>) semaphore(%run_scoped3A : memref<!tpu.dma_semaphore, #tpu.memory_space<semaphore_mem>>) {add = true}
        %dma_wait3A = arith.constant 0 : i32
        %dma_wait3A_186 = arith.constant 0 : i32
        %dma_wait3A_187 = tpu.memref_slice %arg9[%dma_wait3A, %dma_wait3A_186] : memref<5248x128xf32, #tpu.memory_space<vmem_shared>> -> memref<5248x128xf32, #tpu.memory_space<vmem_shared>>
        tpu.wait_indirect_dma semaphore(%run_scoped3A : memref<!tpu.dma_semaphore, #tpu.memory_space<semaphore_mem>>) src(%arg11 : memref<128x128xf32, #tpu.memory_space<vmem>>) dst(%dma_wait3A_187 : memref<5248x128xf32, #tpu.memory_space<vmem_shared>>)
        tpu.yield
      }) : () -> ()
    }
    %while3A_39 = arith.constant 1 : i32
    scf.for %while3A_57 = %while3A_37 to %while3A_33 step %while3A_39  : i32 {
      %add3A_58 = arith.addi %reduce_sum3A_6, %while3A_57 : i32
      %mul3A_59 = arith.constant 128 : i32
      %mul3A_60 = arith.muli %add3A_58, %mul3A_59 : i32
      "tpu.region"() ({
        %run_scoped3A = tpu.sem_alloc : memref<!tpu.dma_semaphore, #tpu.memory_space<semaphore_mem>>
        %dma_start3A = tpu.memref_slice %arg3[%mul3A_60] : memref<320000xi32, #tpu.memory_space<hbm>> -> memref<128xi32, #tpu.memory_space<hbm>>
        %dma_start3A_184 = tpu.memref_slice %arg3[%mul3A_60] : memref<320000xi32, #tpu.memory_space<hbm>> -> memref<128xi32, #tpu.memory_space<hbm>>
        tpu.enqueue_dma source(%dma_start3A_184 : memref<128xi32, #tpu.memory_space<hbm>>) target(%arg10 : memref<128xi32, #tpu.memory_space<vmem>>) target_semaphore(%run_scoped3A : memref<!tpu.dma_semaphore, #tpu.memory_space<semaphore_mem>>)
        %dma_wait3A = tpu.memref_slice %arg3[%mul3A_60] : memref<320000xi32, #tpu.memory_space<hbm>> -> memref<128xi32, #tpu.memory_space<hbm>>
        %dma_wait3A_185 = tpu.memref_slice %arg3[%mul3A_60] : memref<320000xi32, #tpu.memory_space<hbm>> -> memref<128xi32, #tpu.memory_space<hbm>>
        tpu.wait_dma2 semaphore(%run_scoped3A : memref<!tpu.dma_semaphore, #tpu.memory_space<semaphore_mem>>) src(%dma_wait3A_185 : memref<128xi32, #tpu.memory_space<hbm>>) dst(%arg10 : memref<128xi32, #tpu.memory_space<vmem>>)
        tpu.yield
      }) : () -> ()
      "tpu.region"() ({
        %run_scoped3A = tpu.sem_alloc : memref<!tpu.dma_semaphore, #tpu.memory_space<semaphore_mem>>
        %dma_start3A = arith.constant 0 : i32
        %dma_start3A_184 = tpu.memref_slice %arg2[%mul3A_60, %dma_start3A] : memref<320000x128xf32, #tpu.memory_space<hbm>> -> memref<128x128xf32, #tpu.memory_space<hbm>>
        %dma_start3A_185 = arith.constant 0 : i32
        %dma_start3A_186 = tpu.memref_slice %arg2[%mul3A_60, %dma_start3A_185] : memref<320000x128xf32, #tpu.memory_space<hbm>> -> memref<128x128xf32, #tpu.memory_space<hbm>>
        tpu.enqueue_dma source(%dma_start3A_186 : memref<128x128xf32, #tpu.memory_space<hbm>>) target(%arg11 : memref<128x128xf32, #tpu.memory_space<vmem>>) target_semaphore(%run_scoped3A : memref<!tpu.dma_semaphore, #tpu.memory_space<semaphore_mem>>)
        %dma_wait3A = arith.constant 0 : i32
        %dma_wait3A_187 = tpu.memref_slice %arg2[%mul3A_60, %dma_wait3A] : memref<320000x128xf32, #tpu.memory_space<hbm>> -> memref<128x128xf32, #tpu.memory_space<hbm>>
        %dma_wait3A_188 = arith.constant 0 : i32
        %dma_wait3A_189 = tpu.memref_slice %arg2[%mul3A_60, %dma_wait3A_188] : memref<320000x128xf32, #tpu.memory_space<hbm>> -> memref<128x128xf32, #tpu.memory_space<hbm>>
        tpu.wait_dma2 semaphore(%run_scoped3A : memref<!tpu.dma_semaphore, #tpu.memory_space<semaphore_mem>>) src(%dma_wait3A_189 : memref<128x128xf32, #tpu.memory_space<hbm>>) dst(%arg11 : memref<128x128xf32, #tpu.memory_space<vmem>>)
        tpu.yield
      }) : () -> ()
      %get3A_61 = arith.constant 0 : index
      %get3A_62 = tpu.vector_load %arg10[%get3A_61] {strides = array<i32>} : memref<128xi32, #tpu.memory_space<vmem>>, vector<16xi32>,
      %sub3A = vector.broadcast %mul3A_18 : i32 to vector<16xi32>
      %sub3A_63 = arith.subi %get3A_62, %sub3A : vector<16xi32>
      %ge3A = arith.constant 0 : i32
      %ge3A_64 = vector.broadcast %ge3A : i32 to vector<16xi32>
      %ge3A_65 = arith.cmpi sge, %sub3A_63, %ge3A_64 : vector<16xi32>
      %lt3A = arith.constant 5000 : i32
      %lt3A_66 = vector.broadcast %lt3A : i32 to vector<16xi32>
      %lt3A_67 = arith.cmpi slt, %sub3A_63, %lt3A_66 : vector<16xi32>
      %and3A = arith.andi %ge3A_65, %lt3A_67 : vector<16xi1>
      %jit3A_68 = arith.constant 5120 : i32
      %broadcast_in_dim3A_69 = vector.broadcast %jit3A_68 : i32 to vector<16xi32>
      %select_n3A_70 = arith.select %and3A, %sub3A_63, %broadcast_in_dim3A_69 : vector<16xi1>, vector<16xi32>
      %swap3A = arith.constant 0 : index
      %swap3A_71 = tpu.vector_load %arg10[%swap3A] {strides = array<i32>} : memref<128xi32, #tpu.memory_space<vmem>>, vector<16xi32>,
      tpu.vector_store %arg10[%swap3A], %select_n3A_70 {strides = array<i32>} : memref<128xi32, #tpu.memory_space<vmem>>, vector<16xi32>,
      tpu.vector_store_idx %arg12[%select_n3A_70], %broadcast_in_dim3A_30 {add = true} : memref<5248xf32, #tpu.memory_space<vmem>>[vector<16xi32>], vector<16xf32>,
      %get3A_72 = arith.constant 16 : index
      %get3A_73 = tpu.vector_load %arg10[%get3A_72] {strides = array<i32>} : memref<128xi32, #tpu.memory_space<vmem>>, vector<16xi32>,
      %sub3A_74 = vector.broadcast %mul3A_18 : i32 to vector<16xi32>
      %sub3A_75 = arith.subi %get3A_73, %sub3A_74 : vector<16xi32>
      %ge3A_76 = arith.constant 0 : i32
      %ge3A_77 = vector.broadcast %ge3A_76 : i32 to vector<16xi32>
      %ge3A_78 = arith.cmpi sge, %sub3A_75, %ge3A_77 : vector<16xi32>
      %lt3A_79 = arith.constant 5000 : i32
      %lt3A_80 = vector.broadcast %lt3A_79 : i32 to vector<16xi32>
      %lt3A_81 = arith.cmpi slt, %sub3A_75, %lt3A_80 : vector<16xi32>
      %and3A_82 = arith.andi %ge3A_78, %lt3A_81 : vector<16xi1>
      %jit3A_83 = arith.constant 5120 : i32
      %broadcast_in_dim3A_84 = vector.broadcast %jit3A_83 : i32 to vector<16xi32>
      %select_n3A_85 = arith.select %and3A_82, %sub3A_75, %broadcast_in_dim3A_84 : vector<16xi1>, vector<16xi32>
      %swap3A_86 = arith.constant 16 : index
      %swap3A_87 = tpu.vector_load %arg10[%swap3A_86] {strides = array<i32>} : memref<128xi32, #tpu.memory_space<vmem>>, vector<16xi32>,
      tpu.vector_store %arg10[%swap3A_86], %select_n3A_85 {strides = array<i32>} : memref<128xi32, #tpu.memory_space<vmem>>, vector<16xi32>,
      tpu.vector_store_idx %arg12[%select_n3A_85], %broadcast_in_dim3A_30 {add = true} : memref<5248xf32, #tpu.memory_space<vmem>>[vector<16xi32>], vector<16xf32>,
      %get3A_88 = arith.constant 32 : index
      %get3A_89 = tpu.vector_load %arg10[%get3A_88] {strides = array<i32>} : memref<128xi32, #tpu.memory_space<vmem>>, vector<16xi32>,
      %sub3A_90 = vector.broadcast %mul3A_18 : i32 to vector<16xi32>
      %sub3A_91 = arith.subi %get3A_89, %sub3A_90 : vector<16xi32>
      %ge3A_92 = arith.constant 0 : i32
      %ge3A_93 = vector.broadcast %ge3A_92 : i32 to vector<16xi32>
      %ge3A_94 = arith.cmpi sge, %sub3A_91, %ge3A_93 : vector<16xi32>
      %lt3A_95 = arith.constant 5000 : i32
      %lt3A_96 = vector.broadcast %lt3A_95 : i32 to vector<16xi32>
      %lt3A_97 = arith.cmpi slt, %sub3A_91, %lt3A_96 : vector<16xi32>
      %and3A_98 = arith.andi %ge3A_94, %lt3A_97 : vector<16xi1>
      %jit3A_99 = arith.constant 5120 : i32
      %broadcast_in_dim3A_100 = vector.broadcast %jit3A_99 : i32 to vector<16xi32>
      %select_n3A_101 = arith.select %and3A_98, %sub3A_91, %broadcast_in_dim3A_100 : vector<16xi1>, vector<16xi32>
      %swap3A_102 = arith.constant 32 : index
      %swap3A_103 = tpu.vector_load %arg10[%swap3A_102] {strides = array<i32>} : memref<128xi32, #tpu.memory_space<vmem>>, vector<16xi32>,
      tpu.vector_store %arg10[%swap3A_102], %select_n3A_101 {strides = array<i32>} : memref<128xi32, #tpu.memory_space<vmem>>, vector<16xi32>,
      tpu.vector_store_idx %arg12[%select_n3A_101], %broadcast_in_dim3A_30 {add = true} : memref<5248xf32, #tpu.memory_space<vmem>>[vector<16xi32>], vector<16xf32>,
      %get3A_104 = arith.constant 48 : index
      %get3A_105 = tpu.vector_load %arg10[%get3A_104] {strides = array<i32>} : memref<128xi32, #tpu.memory_space<vmem>>, vector<16xi32>,
      %sub3A_106 = vector.broadcast %mul3A_18 : i32 to vector<16xi32>
      %sub3A_107 = arith.subi %get3A_105, %sub3A_106 : vector<16xi32>
      %ge3A_108 = arith.constant 0 : i32
      %ge3A_109 = vector.broadcast %ge3A_108 : i32 to vector<16xi32>
      %ge3A_110 = arith.cmpi sge, %sub3A_107, %ge3A_109 : vector<16xi32>
      %lt3A_111 = arith.constant 5000 : i32
      %lt3A_112 = vector.broadcast %lt3A_111 : i32 to vector<16xi32>
      %lt3A_113 = arith.cmpi slt, %sub3A_107, %lt3A_112 : vector<16xi32>
      %and3A_114 = arith.andi %ge3A_110, %lt3A_113 : vector<16xi1>
      %jit3A_115 = arith.constant 5120 : i32
      %broadcast_in_dim3A_116 = vector.broadcast %jit3A_115 : i32 to vector<16xi32>
      %select_n3A_117 = arith.select %and3A_114, %sub3A_107, %broadcast_in_dim3A_116 : vector<16xi1>, vector<16xi32>
      %swap3A_118 = arith.constant 48 : index
      %swap3A_119 = tpu.vector_load %arg10[%swap3A_118] {strides = array<i32>} : memref<128xi32, #tpu.memory_space<vmem>>, vector<16xi32>,
      tpu.vector_store %arg10[%swap3A_118], %select_n3A_117 {strides = array<i32>} : memref<128xi32, #tpu.memory_space<vmem>>, vector<16xi32>,
      tpu.vector_store_idx %arg12[%select_n3A_117], %broadcast_in_dim3A_30 {add = true} : memref<5248xf32, #tpu.memory_space<vmem>>[vector<16xi32>], vector<16xf32>,
      %get3A_120 = arith.constant 64 : index
      %get3A_121 = tpu.vector_load %arg10[%get3A_120] {strides = array<i32>} : memref<128xi32, #tpu.memory_space<vmem>>, vector<16xi32>,
      %sub3A_122 = vector.broadcast %mul3A_18 : i32 to vector<16xi32>
      %sub3A_123 = arith.subi %get3A_121, %sub3A_122 : vector<16xi32>
      %ge3A_124 = arith.constant 0 : i32
      %ge3A_125 = vector.broadcast %ge3A_124 : i32 to vector<16xi32>
      %ge3A_126 = arith.cmpi sge, %sub3A_123, %ge3A_125 : vector<16xi32>
      %lt3A_127 = arith.constant 5000 : i32
      %lt3A_128 = vector.broadcast %lt3A_127 : i32 to vector<16xi32>
      %lt3A_129 = arith.cmpi slt, %sub3A_123, %lt3A_128 : vector<16xi32>
      %and3A_130 = arith.andi %ge3A_126, %lt3A_129 : vector<16xi1>
      %jit3A_131 = arith.constant 5120 : i32
      %broadcast_in_dim3A_132 = vector.broadcast %jit3A_131 : i32 to vector<16xi32>
      %select_n3A_133 = arith.select %and3A_130, %sub3A_123, %broadcast_in_dim3A_132 : vector<16xi1>, vector<16xi32>
      %swap3A_134 = arith.constant 64 : index
      %swap3A_135 = tpu.vector_load %arg10[%swap3A_134] {strides = array<i32>} : memref<128xi32, #tpu.memory_space<vmem>>, vector<16xi32>,
      tpu.vector_store %arg10[%swap3A_134], %select_n3A_133 {strides = array<i32>} : memref<128xi32, #tpu.memory_space<vmem>>, vector<16xi32>,
      tpu.vector_store_idx %arg12[%select_n3A_133], %broadcast_in_dim3A_30 {add = true} : memref<5248xf32, #tpu.memory_space<vmem>>[vector<16xi32>], vector<16xf32>,
      %get3A_136 = arith.constant 80 : index
      %get3A_137 = tpu.vector_load %arg10[%get3A_136] {strides = array<i32>} : memref<128xi32, #tpu.memory_space<vmem>>, vector<16xi32>,
      %sub3A_138 = vector.broadcast %mul3A_18 : i32 to vector<16xi32>
      %sub3A_139 = arith.subi %get3A_137, %sub3A_138 : vector<16xi32>
      %ge3A_140 = arith.constant 0 : i32
      %ge3A_141 = vector.broadcast %ge3A_140 : i32 to vector<16xi32>
      %ge3A_142 = arith.cmpi sge, %sub3A_139, %ge3A_141 : vector<16xi32>
      %lt3A_143 = arith.constant 5000 : i32
      %lt3A_144 = vector.broadcast %lt3A_143 : i32 to vector<16xi32>
      %lt3A_145 = arith.cmpi slt, %sub3A_139, %lt3A_144 : vector<16xi32>
      %and3A_146 = arith.andi %ge3A_142, %lt3A_145 : vector<16xi1>
      %jit3A_147 = arith.constant 5120 : i32
      %broadcast_in_dim3A_148 = vector.broadcast %jit3A_147 : i32 to vector<16xi32>
      %select_n3A_149 = arith.select %and3A_146, %sub3A_139, %broadcast_in_dim3A_148 : vector<16xi1>, vector<16xi32>
      %swap3A_150 = arith.constant 80 : index
      %swap3A_151 = tpu.vector_load %arg10[%swap3A_150] {strides = array<i32>} : memref<128xi32, #tpu.memory_space<vmem>>, vector<16xi32>,
      tpu.vector_store %arg10[%swap3A_150], %select_n3A_149 {strides = array<i32>} : memref<128xi32, #tpu.memory_space<vmem>>, vector<16xi32>,
      tpu.vector_store_idx %arg12[%select_n3A_149], %broadcast_in_dim3A_30 {add = true} : memref<5248xf32, #tpu.memory_space<vmem>>[vector<16xi32>], vector<16xf32>,
      %get3A_152 = arith.constant 96 : index
      %get3A_153 = tpu.vector_load %arg10[%get3A_152] {strides = array<i32>} : memref<128xi32, #tpu.memory_space<vmem>>, vector<16xi32>,
      %sub3A_154 = vector.broadcast %mul3A_18 : i32 to vector<16xi32>
      %sub3A_155 = arith.subi %get3A_153, %sub3A_154 : vector<16xi32>
      %ge3A_156 = arith.constant 0 : i32
      %ge3A_157 = vector.broadcast %ge3A_156 : i32 to vector<16xi32>
      %ge3A_158 = arith.cmpi sge, %sub3A_155, %ge3A_157 : vector<16xi32>
      %lt3A_159 = arith.constant 5000 : i32
      %lt3A_160 = vector.broadcast %lt3A_159 : i32 to vector<16xi32>
      %lt3A_161 = arith.cmpi slt, %sub3A_155, %lt3A_160 : vector<16xi32>
      %and3A_162 = arith.andi %ge3A_158, %lt3A_161 : vector<16xi1>
      %jit3A_163 = arith.constant 5120 : i32
      %broadcast_in_dim3A_164 = vector.broadcast %jit3A_163 : i32 to vector<16xi32>
      %select_n3A_165 = arith.select %and3A_162, %sub3A_155, %broadcast_in_dim3A_164 : vector<16xi1>, vector<16xi32>
      %swap3A_166 = arith.constant 96 : index
      %swap3A_167 = tpu.vector_load %arg10[%swap3A_166] {strides = array<i32>} : memref<128xi32, #tpu.memory_space<vmem>>, vector<16xi32>,
      tpu.vector_store %arg10[%swap3A_166], %select_n3A_165 {strides = array<i32>} : memref<128xi32, #tpu.memory_space<vmem>>, vector<16xi32>,
      tpu.vector_store_idx %arg12[%select_n3A_165], %broadcast_in_dim3A_30 {add = true} : memref<5248xf32, #tpu.memory_space<vmem>>[vector<16xi32>], vector<16xf32>,
      %get3A_168 = arith.constant 112 : index
      %get3A_169 = tpu.vector_load %arg10[%get3A_168] {strides = array<i32>} : memref<128xi32, #tpu.memory_space<vmem>>, vector<16xi32>,
      %sub3A_170 = vector.broadcast %mul3A_18 : i32 to vector<16xi32>
      %sub3A_171 = arith.subi %get3A_169, %sub3A_170 : vector<16xi32>
      %ge3A_172 = arith.constant 0 : i32
      %ge3A_173 = vector.broadcast %ge3A_172 : i32 to vector<16xi32>
      %ge3A_174 = arith.cmpi sge, %sub3A_171, %ge3A_173 : vector<16xi32>
      %lt3A_175 = arith.constant 5000 : i32
      %lt3A_176 = vector.broadcast %lt3A_175 : i32 to vector<16xi32>
      %lt3A_177 = arith.cmpi slt, %sub3A_171, %lt3A_176 : vector<16xi32>
      %and3A_178 = arith.andi %ge3A_174, %lt3A_177 : vector<16xi1>
      %jit3A_179 = arith.constant 5120 : i32
      %broadcast_in_dim3A_180 = vector.broadcast %jit3A_179 : i32 to vector<16xi32>
      %select_n3A_181 = arith.select %and3A_178, %sub3A_171, %broadcast_in_dim3A_180 : vector<16xi1>, vector<16xi32>
      %swap3A_182 = arith.constant 112 : index
      %swap3A_183 = tpu.vector_load %arg10[%swap3A_182] {strides = array<i32>} : memref<128xi32, #tpu.memory_space<vmem>>, vector<16xi32>,
      tpu.vector_store %arg10[%swap3A_182], %select_n3A_181 {strides = array<i32>} : memref<128xi32, #tpu.memory_space<vmem>>, vector<16xi32>,
      tpu.vector_store_idx %arg12[%select_n3A_181], %broadcast_in_dim3A_30 {add = true} : memref<5248xf32, #tpu.memory_space<vmem>>[vector<16xi32>], vector<16xf32>,
      "tpu.region"() ({
        %run_scoped3A = tpu.sem_alloc : memref<!tpu.dma_semaphore, #tpu.memory_space<semaphore_mem>>
        %dma_start3A = arith.constant 0 : i32
        %dma_start3A_184 = arith.constant 0 : i32
        %dma_start3A_185 = tpu.memref_slice %arg9[%dma_start3A, %dma_start3A_184] : memref<5248x128xf32, #tpu.memory_space<vmem_shared>> -> memref<5248x128xf32, #tpu.memory_space<vmem_shared>>
        tpu.enqueue_indirect_dma source(%arg11 : memref<128x128xf32, #tpu.memory_space<vmem>>) target(%dma_start3A_185 : memref<5248x128xf32, #tpu.memory_space<vmem_shared>>) offsets(%arg10 : memref<128xi32, #tpu.memory_space<vmem>>) semaphore(%run_scoped3A : memref<!tpu.dma_semaphore, #tpu.memory_space<semaphore_mem>>) {add = true}
        %dma_wait3A = arith.constant 0 : i32
        %dma_wait3A_186 = arith.constant 0 : i32
        %dma_wait3A_187 = tpu.memref_slice %arg9[%dma_wait3A, %dma_wait3A_186] : memref<5248x128xf32, #tpu.memory_space<vmem_shared>> -> memref<5248x128xf32, #tpu.memory_space<vmem_shared>>
        tpu.wait_indirect_dma semaphore(%run_scoped3A : memref<!tpu.dma_semaphore, #tpu.memory_space<semaphore_mem>>) src(%arg11 : memref<128x128xf32, #tpu.memory_space<vmem>>) dst(%dma_wait3A_187 : memref<5248x128xf32, #tpu.memory_space<vmem_shared>>)
        tpu.yield
      }) : () -> ()
    }
    %barrier3A_40 = arith.constant 0 : index
    tpu.barrier barrier_id(%barrier3A_40)
    %add3A_41 = arith.constant 0 : i32
    %add3A_42 = arith.addi %mul3A_20, %add3A_41 : i32
    "tpu.region"() ({
      %run_scoped3A = tpu.sem_alloc : memref<!tpu.dma_semaphore, #tpu.memory_space<semaphore_mem>>
      %dma_start3A = arith.constant 0 : i32
      %dma_start3A_57 = arith.constant 0 : i32
      %dma_start3A_58 = tpu.memref_slice %arg11[%dma_start3A, %dma_start3A_57] : memref<128x128xf32, #tpu.memory_space<vmem>> -> memref<80x128xf32, #tpu.memory_space<vmem>>
      %dma_start3A_59 = arith.constant 0 : i32
      %dma_start3A_60 = tpu.memref_slice %arg9[%add3A_42, %dma_start3A_59] : memref<5248x128xf32, #tpu.memory_space<vmem_shared>> -> memref<80x128xf32, #tpu.memory_space<vmem_shared>>
      %dma_start3A_61 = arith.constant 0 : i32
      %dma_start3A_62 = arith.constant 0 : i32
      %dma_start3A_63 = tpu.memref_slice %arg11[%dma_start3A_61, %dma_start3A_62] : memref<128x128xf32, #tpu.memory_space<vmem>> -> memref<80x128xf32, #tpu.memory_space<vmem>>
      %dma_start3A_64 = arith.constant 0 : i32
      %dma_start3A_65 = tpu.memref_slice %arg9[%add3A_42, %dma_start3A_64] : memref<5248x128xf32, #tpu.memory_space<vmem_shared>> -> memref<80x128xf32, #tpu.memory_space<vmem_shared>>
      tpu.enqueue_dma source(%dma_start3A_65 : memref<80x128xf32, #tpu.memory_space<vmem_shared>>) target(%dma_start3A_63 : memref<80x128xf32, #tpu.memory_space<vmem>>) target_semaphore(%run_scoped3A : memref<!tpu.dma_semaphore, #tpu.memory_space<semaphore_mem>>)
      %dma_wait3A = arith.constant 0 : i32
      %dma_wait3A_66 = arith.constant 0 : i32
      %dma_wait3A_67 = tpu.memref_slice %arg11[%dma_wait3A, %dma_wait3A_66] : memref<128x128xf32, #tpu.memory_space<vmem>> -> memref<80x128xf32, #tpu.memory_space<vmem>>
      %dma_wait3A_68 = arith.constant 0 : i32
      %dma_wait3A_69 = tpu.memref_slice %arg9[%add3A_42, %dma_wait3A_68] : memref<5248x128xf32, #tpu.memory_space<vmem_shared>> -> memref<80x128xf32, #tpu.memory_space<vmem_shared>>
      %dma_wait3A_70 = arith.constant 0 : i32
      %dma_wait3A_71 = arith.constant 0 : i32
      %dma_wait3A_72 = tpu.memref_slice %arg11[%dma_wait3A_70, %dma_wait3A_71] : memref<128x128xf32, #tpu.memory_space<vmem>> -> memref<80x128xf32, #tpu.memory_space<vmem>>
      %dma_wait3A_73 = arith.constant 0 : i32
      %dma_wait3A_74 = tpu.memref_slice %arg9[%add3A_42, %dma_wait3A_73] : memref<5248x128xf32, #tpu.memory_space<vmem_shared>> -> memref<80x128xf32, #tpu.memory_space<vmem_shared>>
      tpu.wait_dma2 semaphore(%run_scoped3A : memref<!tpu.dma_semaphore, #tpu.memory_space<semaphore_mem>>) src(%dma_wait3A_74 : memref<80x128xf32, #tpu.memory_space<vmem_shared>>) dst(%dma_wait3A_72 : memref<80x128xf32, #tpu.memory_space<vmem>>)
      tpu.yield
    }) : () -> ()
    %add3A_43 = arith.constant 0 : i32
    %add3A_44 = arith.addi %mul3A_20, %add3A_43 : i32
    "tpu.region"() ({
      %run_scoped3A = tpu.sem_alloc : memref<!tpu.dma_semaphore, #tpu.memory_space<semaphore_mem>>
      %dma_start3A = arith.constant 0 : i32
      %dma_start3A_57 = arith.constant 0 : i32
      %dma_start3A_58 = tpu.memref_slice %arg11[%dma_start3A, %dma_start3A_57] : memref<128x128xf32, #tpu.memory_space<vmem>> -> memref<80x128xf32, #tpu.memory_space<vmem>>
      %dma_start3A_59 = arith.constant 0 : i32
      %dma_start3A_60 = tpu.memref_slice %arg7[%arg0, %add3A_44, %dma_start3A_59] : memref<2x5120x128xf32, #tpu.memory_space<hbm>> -> memref<1x80x128xf32, #tpu.memory_space<hbm>>
      %dma_start3A_61 = tpu.memref_squeeze %dma_start3A_60 : memref<1x80x128xf32, #tpu.memory_space<hbm>> -> memref<80x128xf32, #tpu.memory_space<hbm>>
      %dma_start3A_62 = arith.constant 0 : i32
      %dma_start3A_63 = tpu.memref_slice %arg7[%arg0, %add3A_44, %dma_start3A_62] : memref<2x5120x128xf32, #tpu.memory_space<hbm>> -> memref<1x80x128xf32, #tpu.memory_space<hbm>>
      %dma_start3A_64 = tpu.memref_squeeze %dma_start3A_63 : memref<1x80x128xf32, #tpu.memory_space<hbm>> -> memref<80x128xf32, #tpu.memory_space<hbm>>
      %dma_start3A_65 = arith.constant 0 : i32
      %dma_start3A_66 = arith.constant 0 : i32
      %dma_start3A_67 = tpu.memref_slice %arg11[%dma_start3A_65, %dma_start3A_66] : memref<128x128xf32, #tpu.memory_space<vmem>> -> memref<80x128xf32, #tpu.memory_space<vmem>>
      tpu.enqueue_dma source(%dma_start3A_67 : memref<80x128xf32, #tpu.memory_space<vmem>>) target(%dma_start3A_64 : memref<80x128xf32, #tpu.memory_space<hbm>>) target_semaphore(%run_scoped3A : memref<!tpu.dma_semaphore, #tpu.memory_space<semaphore_mem>>)
      %dma_wait3A = arith.constant 0 : i32
      %dma_wait3A_68 = arith.constant 0 : i32
      %dma_wait3A_69 = tpu.memref_slice %arg11[%dma_wait3A, %dma_wait3A_68] : memref<128x128xf32, #tpu.memory_space<vmem>> -> memref<80x128xf32, #tpu.memory_space<vmem>>
      %dma_wait3A_70 = arith.constant 0 : i32
      %dma_wait3A_71 = tpu.memref_slice %arg7[%arg0, %add3A_44, %dma_wait3A_70] : memref<2x5120x128xf32, #tpu.memory_space<hbm>> -> memref<1x80x128xf32, #tpu.memory_space<hbm>>
      %dma_wait3A_72 = tpu.memref_squeeze %dma_wait3A_71 : memref<1x80x128xf32, #tpu.memory_space<hbm>> -> memref<80x128xf32, #tpu.memory_space<hbm>>
      %dma_wait3A_73 = arith.constant 0 : i32
      %dma_wait3A_74 = tpu.memref_slice %arg7[%arg0, %add3A_44, %dma_wait3A_73] : memref<2x5120x128xf32, #tpu.memory_space<hbm>> -> memref<1x80x128xf32, #tpu.memory_space<hbm>>
      %dma_wait3A_75 = tpu.memref_squeeze %dma_wait3A_74 : memref<1x80x128xf32, #tpu.memory_space<hbm>> -> memref<80x128xf32, #tpu.memory_space<hbm>>
      %dma_wait3A_76 = arith.constant 0 : i32
      %dma_wait3A_77 = arith.constant 0 : i32
      %dma_wait3A_78 = tpu.memref_slice %arg11[%dma_wait3A_76, %dma_wait3A_77] : memref<128x128xf32, #tpu.memory_space<vmem>> -> memref<80x128xf32, #tpu.memory_space<vmem>>
      tpu.wait_dma2 semaphore(%run_scoped3A : memref<!tpu.dma_semaphore, #tpu.memory_space<semaphore_mem>>) src(%dma_wait3A_78 : memref<80x128xf32, #tpu.memory_space<vmem>>) dst(%dma_wait3A_75 : memref<80x128xf32, #tpu.memory_space<hbm>>)
      tpu.yield
    }) : () -> ()
    %add3A_45 = arith.constant 80 : i32
    %add3A_46 = arith.addi %mul3A_20, %add3A_45 : i32
    "tpu.region"() ({
      %run_scoped3A = tpu.sem_alloc : memref<!tpu.dma_semaphore, #tpu.memory_space<semaphore_mem>>
      %dma_start3A = arith.constant 0 : i32
      %dma_start3A_57 = arith.constant 0 : i32
      %dma_start3A_58 = tpu.memref_slice %arg11[%dma_start3A, %dma_start3A_57] : memref<128x128xf32, #tpu.memory_space<vmem>> -> memref<80x128xf32, #tpu.memory_space<vmem>>
      %dma_start3A_59 = arith.constant 0 : i32
      %dma_start3A_60 = tpu.memref_slice %arg9[%add3A_46, %dma_start3A_59] : memref<5248x128xf32, #tpu.memory_space<vmem_shared>> -> memref<80x128xf32, #tpu.memory_space<vmem_shared>>
      %dma_start3A_61 = arith.constant 0 : i32
      %dma_start3A_62 = arith.constant 0 : i32
      %dma_start3A_63 = tpu.memref_slice %arg11[%dma_start3A_61, %dma_start3A_62] : memref<128x128xf32, #tpu.memory_space<vmem>> -> memref<80x128xf32, #tpu.memory_space<vmem>>
      %dma_start3A_64 = arith.constant 0 : i32
      %dma_start3A_65 = tpu.memref_slice %arg9[%add3A_46, %dma_start3A_64] : memref<5248x128xf32, #tpu.memory_space<vmem_shared>> -> memref<80x128xf32, #tpu.memory_space<vmem_shared>>
      tpu.enqueue_dma source(%dma_start3A_65 : memref<80x128xf32, #tpu.memory_space<vmem_shared>>) target(%dma_start3A_63 : memref<80x128xf32, #tpu.memory_space<vmem>>) target_semaphore(%run_scoped3A : memref<!tpu.dma_semaphore, #tpu.memory_space<semaphore_mem>>)
      %dma_wait3A = arith.constant 0 : i32
      %dma_wait3A_66 = arith.constant 0 : i32
      %dma_wait3A_67 = tpu.memref_slice %arg11[%dma_wait3A, %dma_wait3A_66] : memref<128x128xf32, #tpu.memory_space<vmem>> -> memref<80x128xf32, #tpu.memory_space<vmem>>
      %dma_wait3A_68 = arith.constant 0 : i32
      %dma_wait3A_69 = tpu.memref_slice %arg9[%add3A_46, %dma_wait3A_68] : memref<5248x128xf32, #tpu.memory_space<vmem_shared>> -> memref<80x128xf32, #tpu.memory_space<vmem_shared>>
      %dma_wait3A_70 = arith.constant 0 : i32
      %dma_wait3A_71 = arith.constant 0 : i32
      %dma_wait3A_72 = tpu.memref_slice %arg11[%dma_wait3A_70, %dma_wait3A_71] : memref<128x128xf32, #tpu.memory_space<vmem>> -> memref<80x128xf32, #tpu.memory_space<vmem>>
      %dma_wait3A_73 = arith.constant 0 : i32
      %dma_wait3A_74 = tpu.memref_slice %arg9[%add3A_46, %dma_wait3A_73] : memref<5248x128xf32, #tpu.memory_space<vmem_shared>> -> memref<80x128xf32, #tpu.memory_space<vmem_shared>>
      tpu.wait_dma2 semaphore(%run_scoped3A : memref<!tpu.dma_semaphore, #tpu.memory_space<semaphore_mem>>) src(%dma_wait3A_74 : memref<80x128xf32, #tpu.memory_space<vmem_shared>>) dst(%dma_wait3A_72 : memref<80x128xf32, #tpu.memory_space<vmem>>)
      tpu.yield
    }) : () -> ()
    %add3A_47 = arith.constant 80 : i32
    %add3A_48 = arith.addi %mul3A_20, %add3A_47 : i32
    "tpu.region"() ({
      %run_scoped3A = tpu.sem_alloc : memref<!tpu.dma_semaphore, #tpu.memory_space<semaphore_mem>>
      %dma_start3A = arith.constant 0 : i32
      %dma_start3A_57 = arith.constant 0 : i32
      %dma_start3A_58 = tpu.memref_slice %arg11[%dma_start3A, %dma_start3A_57] : memref<128x128xf32, #tpu.memory_space<vmem>> -> memref<80x128xf32, #tpu.memory_space<vmem>>
      %dma_start3A_59 = arith.constant 0 : i32
      %dma_start3A_60 = tpu.memref_slice %arg7[%arg0, %add3A_48, %dma_start3A_59] : memref<2x5120x128xf32, #tpu.memory_space<hbm>> -> memref<1x80x128xf32, #tpu.memory_space<hbm>>
      %dma_start3A_61 = tpu.memref_squeeze %dma_start3A_60 : memref<1x80x128xf32, #tpu.memory_space<hbm>> -> memref<80x128xf32, #tpu.memory_space<hbm>>
      %dma_start3A_62 = arith.constant 0 : i32
      %dma_start3A_63 = tpu.memref_slice %arg7[%arg0, %add3A_48, %dma_start3A_62] : memref<2x5120x128xf32, #tpu.memory_space<hbm>> -> memref<1x80x128xf32, #tpu.memory_space<hbm>>
      %dma_start3A_64 = tpu.memref_squeeze %dma_start3A_63 : memref<1x80x128xf32, #tpu.memory_space<hbm>> -> memref<80x128xf32, #tpu.memory_space<hbm>>
      %dma_start3A_65 = arith.constant 0 : i32
      %dma_start3A_66 = arith.constant 0 : i32
      %dma_start3A_67 = tpu.memref_slice %arg11[%dma_start3A_65, %dma_start3A_66] : memref<128x128xf32, #tpu.memory_space<vmem>> -> memref<80x128xf32, #tpu.memory_space<vmem>>
      tpu.enqueue_dma source(%dma_start3A_67 : memref<80x128xf32, #tpu.memory_space<vmem>>) target(%dma_start3A_64 : memref<80x128xf32, #tpu.memory_space<hbm>>) target_semaphore(%run_scoped3A : memref<!tpu.dma_semaphore, #tpu.memory_space<semaphore_mem>>)
      %dma_wait3A = arith.constant 0 : i32
      %dma_wait3A_68 = arith.constant 0 : i32
      %dma_wait3A_69 = tpu.memref_slice %arg11[%dma_wait3A, %dma_wait3A_68] : memref<128x128xf32, #tpu.memory_space<vmem>> -> memref<80x128xf32, #tpu.memory_space<vmem>>
      %dma_wait3A_70 = arith.constant 0 : i32
      %dma_wait3A_71 = tpu.memref_slice %arg7[%arg0, %add3A_48, %dma_wait3A_70] : memref<2x5120x128xf32, #tpu.memory_space<hbm>> -> memref<1x80x128xf32, #tpu.memory_space<hbm>>
      %dma_wait3A_72 = tpu.memref_squeeze %dma_wait3A_71 : memref<1x80x128xf32, #tpu.memory_space<hbm>> -> memref<80x128xf32, #tpu.memory_space<hbm>>
      %dma_wait3A_73 = arith.constant 0 : i32
      %dma_wait3A_74 = tpu.memref_slice %arg7[%arg0, %add3A_48, %dma_wait3A_73] : memref<2x5120x128xf32, #tpu.memory_space<hbm>> -> memref<1x80x128xf32, #tpu.memory_space<hbm>>
      %dma_wait3A_75 = tpu.memref_squeeze %dma_wait3A_74 : memref<1x80x128xf32, #tpu.memory_space<hbm>> -> memref<80x128xf32, #tpu.memory_space<hbm>>
      %dma_wait3A_76 = arith.constant 0 : i32
      %dma_wait3A_77 = arith.constant 0 : i32
      %dma_wait3A_78 = tpu.memref_slice %arg11[%dma_wait3A_76, %dma_wait3A_77] : memref<128x128xf32, #tpu.memory_space<vmem>> -> memref<80x128xf32, #tpu.memory_space<vmem>>
      tpu.wait_dma2 semaphore(%run_scoped3A : memref<!tpu.dma_semaphore, #tpu.memory_space<semaphore_mem>>) src(%dma_wait3A_78 : memref<80x128xf32, #tpu.memory_space<vmem>>) dst(%dma_wait3A_75 : memref<80x128xf32, #tpu.memory_space<hbm>>)
      tpu.yield
    }) : () -> ()
    %add3A_49 = arith.constant 160 : i32
    %add3A_50 = arith.addi %mul3A_20, %add3A_49 : i32
    "tpu.region"() ({
      %run_scoped3A = tpu.sem_alloc : memref<!tpu.dma_semaphore, #tpu.memory_space<semaphore_mem>>
      %dma_start3A = arith.constant 0 : i32
      %dma_start3A_57 = arith.constant 0 : i32
      %dma_start3A_58 = tpu.memref_slice %arg11[%dma_start3A, %dma_start3A_57] : memref<128x128xf32, #tpu.memory_space<vmem>> -> memref<80x128xf32, #tpu.memory_space<vmem>>
      %dma_start3A_59 = arith.constant 0 : i32
      %dma_start3A_60 = tpu.memref_slice %arg9[%add3A_50, %dma_start3A_59] : memref<5248x128xf32, #tpu.memory_space<vmem_shared>> -> memref<80x128xf32, #tpu.memory_space<vmem_shared>>
      %dma_start3A_61 = arith.constant 0 : i32
      %dma_start3A_62 = arith.constant 0 : i32
      %dma_start3A_63 = tpu.memref_slice %arg11[%dma_start3A_61, %dma_start3A_62] : memref<128x128xf32, #tpu.memory_space<vmem>> -> memref<80x128xf32, #tpu.memory_space<vmem>>
      %dma_start3A_64 = arith.constant 0 : i32
      %dma_start3A_65 = tpu.memref_slice %arg9[%add3A_50, %dma_start3A_64] : memref<5248x128xf32, #tpu.memory_space<vmem_shared>> -> memref<80x128xf32, #tpu.memory_space<vmem_shared>>
      tpu.enqueue_dma source(%dma_start3A_65 : memref<80x128xf32, #tpu.memory_space<vmem_shared>>) target(%dma_start3A_63 : memref<80x128xf32, #tpu.memory_space<vmem>>) target_semaphore(%run_scoped3A : memref<!tpu.dma_semaphore, #tpu.memory_space<semaphore_mem>>)
      %dma_wait3A = arith.constant 0 : i32
      %dma_wait3A_66 = arith.constant 0 : i32
      %dma_wait3A_67 = tpu.memref_slice %arg11[%dma_wait3A, %dma_wait3A_66] : memref<128x128xf32, #tpu.memory_space<vmem>> -> memref<80x128xf32, #tpu.memory_space<vmem>>
      %dma_wait3A_68 = arith.constant 0 : i32
      %dma_wait3A_69 = tpu.memref_slice %arg9[%add3A_50, %dma_wait3A_68] : memref<5248x128xf32, #tpu.memory_space<vmem_shared>> -> memref<80x128xf32, #tpu.memory_space<vmem_shared>>
      %dma_wait3A_70 = arith.constant 0 : i32
      %dma_wait3A_71 = arith.constant 0 : i32
      %dma_wait3A_72 = tpu.memref_slice %arg11[%dma_wait3A_70, %dma_wait3A_71] : memref<128x128xf32, #tpu.memory_space<vmem>> -> memref<80x128xf32, #tpu.memory_space<vmem>>
      %dma_wait3A_73 = arith.constant 0 : i32
      %dma_wait3A_74 = tpu.memref_slice %arg9[%add3A_50, %dma_wait3A_73] : memref<5248x128xf32, #tpu.memory_space<vmem_shared>> -> memref<80x128xf32, #tpu.memory_space<vmem_shared>>
      tpu.wait_dma2 semaphore(%run_scoped3A : memref<!tpu.dma_semaphore, #tpu.memory_space<semaphore_mem>>) src(%dma_wait3A_74 : memref<80x128xf32, #tpu.memory_space<vmem_shared>>) dst(%dma_wait3A_72 : memref<80x128xf32, #tpu.memory_space<vmem>>)
      tpu.yield
    }) : () -> ()
    %add3A_51 = arith.constant 160 : i32
    %add3A_52 = arith.addi %mul3A_20, %add3A_51 : i32
    "tpu.region"() ({
      %run_scoped3A = tpu.sem_alloc : memref<!tpu.dma_semaphore, #tpu.memory_space<semaphore_mem>>
      %dma_start3A = arith.constant 0 : i32
      %dma_start3A_57 = arith.constant 0 : i32
      %dma_start3A_58 = tpu.memref_slice %arg11[%dma_start3A, %dma_start3A_57] : memref<128x128xf32, #tpu.memory_space<vmem>> -> memref<80x128xf32, #tpu.memory_space<vmem>>
      %dma_start3A_59 = arith.constant 0 : i32
      %dma_start3A_60 = tpu.memref_slice %arg7[%arg0, %add3A_52, %dma_start3A_59] : memref<2x5120x128xf32, #tpu.memory_space<hbm>> -> memref<1x80x128xf32, #tpu.memory_space<hbm>>
      %dma_start3A_61 = tpu.memref_squeeze %dma_start3A_60 : memref<1x80x128xf32, #tpu.memory_space<hbm>> -> memref<80x128xf32, #tpu.memory_space<hbm>>
      %dma_start3A_62 = arith.constant 0 : i32
      %dma_start3A_63 = tpu.memref_slice %arg7[%arg0, %add3A_52, %dma_start3A_62] : memref<2x5120x128xf32, #tpu.memory_space<hbm>> -> memref<1x80x128xf32, #tpu.memory_space<hbm>>
      %dma_start3A_64 = tpu.memref_squeeze %dma_start3A_63 : memref<1x80x128xf32, #tpu.memory_space<hbm>> -> memref<80x128xf32, #tpu.memory_space<hbm>>
      %dma_start3A_65 = arith.constant 0 : i32
      %dma_start3A_66 = arith.constant 0 : i32
      %dma_start3A_67 = tpu.memref_slice %arg11[%dma_start3A_65, %dma_start3A_66] : memref<128x128xf32, #tpu.memory_space<vmem>> -> memref<80x128xf32, #tpu.memory_space<vmem>>
      tpu.enqueue_dma source(%dma_start3A_67 : memref<80x128xf32, #tpu.memory_space<vmem>>) target(%dma_start3A_64 : memref<80x128xf32, #tpu.memory_space<hbm>>) target_semaphore(%run_scoped3A : memref<!tpu.dma_semaphore, #tpu.memory_space<semaphore_mem>>)
      %dma_wait3A = arith.constant 0 : i32
      %dma_wait3A_68 = arith.constant 0 : i32
      %dma_wait3A_69 = tpu.memref_slice %arg11[%dma_wait3A, %dma_wait3A_68] : memref<128x128xf32, #tpu.memory_space<vmem>> -> memref<80x128xf32, #tpu.memory_space<vmem>>
      %dma_wait3A_70 = arith.constant 0 : i32
      %dma_wait3A_71 = tpu.memref_slice %arg7[%arg0, %add3A_52, %dma_wait3A_70] : memref<2x5120x128xf32, #tpu.memory_space<hbm>> -> memref<1x80x128xf32, #tpu.memory_space<hbm>>
      %dma_wait3A_72 = tpu.memref_squeeze %dma_wait3A_71 : memref<1x80x128xf32, #tpu.memory_space<hbm>> -> memref<80x128xf32, #tpu.memory_space<hbm>>
      %dma_wait3A_73 = arith.constant 0 : i32
      %dma_wait3A_74 = tpu.memref_slice %arg7[%arg0, %add3A_52, %dma_wait3A_73] : memref<2x5120x128xf32, #tpu.memory_space<hbm>> -> memref<1x80x128xf32, #tpu.memory_space<hbm>>
      %dma_wait3A_75 = tpu.memref_squeeze %dma_wait3A_74 : memref<1x80x128xf32, #tpu.memory_space<hbm>> -> memref<80x128xf32, #tpu.memory_space<hbm>>
      %dma_wait3A_76 = arith.constant 0 : i32
      %dma_wait3A_77 = arith.constant 0 : i32
      %dma_wait3A_78 = tpu.memref_slice %arg11[%dma_wait3A_76, %dma_wait3A_77] : memref<128x128xf32, #tpu.memory_space<vmem>> -> memref<80x128xf32, #tpu.memory_space<vmem>>
      tpu.wait_dma2 semaphore(%run_scoped3A : memref<!tpu.dma_semaphore, #tpu.memory_space<semaphore_mem>>) src(%dma_wait3A_78 : memref<80x128xf32, #tpu.memory_space<vmem>>) dst(%dma_wait3A_75 : memref<80x128xf32, #tpu.memory_space<hbm>>)
      tpu.yield
    }) : () -> ()
    %add3A_53 = arith.constant 240 : i32
    %add3A_54 = arith.addi %mul3A_20, %add3A_53 : i32
    "tpu.region"() ({
      %run_scoped3A = tpu.sem_alloc : memref<!tpu.dma_semaphore, #tpu.memory_space<semaphore_mem>>
      %dma_start3A = arith.constant 0 : i32
      %dma_start3A_57 = arith.constant 0 : i32
      %dma_start3A_58 = tpu.memref_slice %arg11[%dma_start3A, %dma_start3A_57] : memref<128x128xf32, #tpu.memory_space<vmem>> -> memref<80x128xf32, #tpu.memory_space<vmem>>
      %dma_start3A_59 = arith.constant 0 : i32
      %dma_start3A_60 = tpu.memref_slice %arg9[%add3A_54, %dma_start3A_59] : memref<5248x128xf32, #tpu.memory_space<vmem_shared>> -> memref<80x128xf32, #tpu.memory_space<vmem_shared>>
      %dma_start3A_61 = arith.constant 0 : i32
      %dma_start3A_62 = arith.constant 0 : i32
      %dma_start3A_63 = tpu.memref_slice %arg11[%dma_start3A_61, %dma_start3A_62] : memref<128x128xf32, #tpu.memory_space<vmem>> -> memref<80x128xf32, #tpu.memory_space<vmem>>
      %dma_start3A_64 = arith.constant 0 : i32
      %dma_start3A_65 = tpu.memref_slice %arg9[%add3A_54, %dma_start3A_64] : memref<5248x128xf32, #tpu.memory_space<vmem_shared>> -> memref<80x128xf32, #tpu.memory_space<vmem_shared>>
      tpu.enqueue_dma source(%dma_start3A_65 : memref<80x128xf32, #tpu.memory_space<vmem_shared>>) target(%dma_start3A_63 : memref<80x128xf32, #tpu.memory_space<vmem>>) target_semaphore(%run_scoped3A : memref<!tpu.dma_semaphore, #tpu.memory_space<semaphore_mem>>)
      %dma_wait3A = arith.constant 0 : i32
      %dma_wait3A_66 = arith.constant 0 : i32
      %dma_wait3A_67 = tpu.memref_slice %arg11[%dma_wait3A, %dma_wait3A_66] : memref<128x128xf32, #tpu.memory_space<vmem>> -> memref<80x128xf32, #tpu.memory_space<vmem>>
      %dma_wait3A_68 = arith.constant 0 : i32
      %dma_wait3A_69 = tpu.memref_slice %arg9[%add3A_54, %dma_wait3A_68] : memref<5248x128xf32, #tpu.memory_space<vmem_shared>> -> memref<80x128xf32, #tpu.memory_space<vmem_shared>>
      %dma_wait3A_70 = arith.constant 0 : i32
      %dma_wait3A_71 = arith.constant 0 : i32
      %dma_wait3A_72 = tpu.memref_slice %arg11[%dma_wait3A_70, %dma_wait3A_71] : memref<128x128xf32, #tpu.memory_space<vmem>> -> memref<80x128xf32, #tpu.memory_space<vmem>>
      %dma_wait3A_73 = arith.constant 0 : i32
      %dma_wait3A_74 = tpu.memref_slice %arg9[%add3A_54, %dma_wait3A_73] : memref<5248x128xf32, #tpu.memory_space<vmem_shared>> -> memref<80x128xf32, #tpu.memory_space<vmem_shared>>
      tpu.wait_dma2 semaphore(%run_scoped3A : memref<!tpu.dma_semaphore, #tpu.memory_space<semaphore_mem>>) src(%dma_wait3A_74 : memref<80x128xf32, #tpu.memory_space<vmem_shared>>) dst(%dma_wait3A_72 : memref<80x128xf32, #tpu.memory_space<vmem>>)
      tpu.yield
    }) : () -> ()
    %add3A_55 = arith.constant 240 : i32
    %add3A_56 = arith.addi %mul3A_20, %add3A_55 : i32
    "tpu.region"() ({
      %run_scoped3A = tpu.sem_alloc : memref<!tpu.dma_semaphore, #tpu.memory_space<semaphore_mem>>
      %dma_start3A = arith.constant 0 : i32
      %dma_start3A_57 = arith.constant 0 : i32
      %dma_start3A_58 = tpu.memref_slice %arg11[%dma_start3A, %dma_start3A_57] : memref<128x128xf32, #tpu.memory_space<vmem>> -> memref<80x128xf32, #tpu.memory_space<vmem>>
      %dma_start3A_59 = arith.constant 0 : i32
      %dma_start3A_60 = tpu.memref_slice %arg7[%arg0, %add3A_56, %dma_start3A_59] : memref<2x5120x128xf32, #tpu.memory_space<hbm>> -> memref<1x80x128xf32, #tpu.memory_space<hbm>>
      %dma_start3A_61 = tpu.memref_squeeze %dma_start3A_60 : memref<1x80x128xf32, #tpu.memory_space<hbm>> -> memref<80x128xf32, #tpu.memory_space<hbm>>
      %dma_start3A_62 = arith.constant 0 : i32
      %dma_start3A_63 = tpu.memref_slice %arg7[%arg0, %add3A_56, %dma_start3A_62] : memref<2x5120x128xf32, #tpu.memory_space<hbm>> -> memref<1x80x128xf32, #tpu.memory_space<hbm>>
      %dma_start3A_64 = tpu.memref_squeeze %dma_start3A_63 : memref<1x80x128xf32, #tpu.memory_space<hbm>> -> memref<80x128xf32, #tpu.memory_space<hbm>>
      %dma_start3A_65 = arith.constant 0 : i32
      %dma_start3A_66 = arith.constant 0 : i32
      %dma_start3A_67 = tpu.memref_slice %arg11[%dma_start3A_65, %dma_start3A_66] : memref<128x128xf32, #tpu.memory_space<vmem>> -> memref<80x128xf32, #tpu.memory_space<vmem>>
      tpu.enqueue_dma source(%dma_start3A_67 : memref<80x128xf32, #tpu.memory_space<vmem>>) target(%dma_start3A_64 : memref<80x128xf32, #tpu.memory_space<hbm>>) target_semaphore(%run_scoped3A : memref<!tpu.dma_semaphore, #tpu.memory_space<semaphore_mem>>)
      %dma_wait3A = arith.constant 0 : i32
      %dma_wait3A_68 = arith.constant 0 : i32
      %dma_wait3A_69 = tpu.memref_slice %arg11[%dma_wait3A, %dma_wait3A_68] : memref<128x128xf32, #tpu.memory_space<vmem>> -> memref<80x128xf32, #tpu.memory_space<vmem>>
      %dma_wait3A_70 = arith.constant 0 : i32
      %dma_wait3A_71 = tpu.memref_slice %arg7[%arg0, %add3A_56, %dma_wait3A_70] : memref<2x5120x128xf32, #tpu.memory_space<hbm>> -> memref<1x80x128xf32, #tpu.memory_space<hbm>>
      %dma_wait3A_72 = tpu.memref_squeeze %dma_wait3A_71 : memref<1x80x128xf32, #tpu.memory_space<hbm>> -> memref<80x128xf32, #tpu.memory_space<hbm>>
      %dma_wait3A_73 = arith.constant 0 : i32
      %dma_wait3A_74 = tpu.memref_slice %arg7[%arg0, %add3A_56, %dma_wait3A_73] : memref<2x5120x128xf32, #tpu.memory_space<hbm>> -> memref<1x80x128xf32, #tpu.memory_space<hbm>>
      %dma_wait3A_75 = tpu.memref_squeeze %dma_wait3A_74 : memref<1x80x128xf32, #tpu.memory_space<hbm>> -> memref<80x128xf32, #tpu.memory_space<hbm>>
      %dma_wait3A_76 = arith.constant 0 : i32
      %dma_wait3A_77 = arith.constant 0 : i32
      %dma_wait3A_78 = tpu.memref_slice %arg11[%dma_wait3A_76, %dma_wait3A_77] : memref<128x128xf32, #tpu.memory_space<vmem>> -> memref<80x128xf32, #tpu.memory_space<vmem>>
      tpu.wait_dma2 semaphore(%run_scoped3A : memref<!tpu.dma_semaphore, #tpu.memory_space<semaphore_mem>>) src(%dma_wait3A_78 : memref<80x128xf32, #tpu.memory_space<vmem>>) dst(%dma_wait3A_75 : memref<80x128xf32, #tpu.memory_space<hbm>>)
      tpu.yield
    }) : () -> ()
    "tpu.region"() ({
      %run_scoped3A = tpu.sem_alloc : memref<!tpu.dma_semaphore, #tpu.memory_space<semaphore_mem>>
      %dma_start3A = arith.constant 0 : i32
      %dma_start3A_57 = tpu.memref_slice %arg8[%add3A, %dma_start3A] : memref<32x5248xf32, #tpu.memory_space<hbm>> -> memref<1x5248xf32, #tpu.memory_space<hbm>>
      %dma_start3A_58 = tpu.memref_squeeze %dma_start3A_57 : memref<1x5248xf32, #tpu.memory_space<hbm>> -> memref<5248xf32, #tpu.memory_space<hbm>>
      %dma_start3A_59 = arith.constant 0 : i32
      %dma_start3A_60 = tpu.memref_slice %arg8[%add3A, %dma_start3A_59] : memref<32x5248xf32, #tpu.memory_space<hbm>> -> memref<1x5248xf32, #tpu.memory_space<hbm>>
      %dma_start3A_61 = tpu.memref_squeeze %dma_start3A_60 : memref<1x5248xf32, #tpu.memory_space<hbm>> -> memref<5248xf32, #tpu.memory_space<hbm>>
      tpu.enqueue_dma source(%arg12 : memref<5248xf32, #tpu.memory_space<vmem>>) target(%dma_start3A_61 : memref<5248xf32, #tpu.memory_space<hbm>>) target_semaphore(%run_scoped3A : memref<!tpu.dma_semaphore, #tpu.memory_space<semaphore_mem>>)
      %dma_wait3A = arith.constant 0 : i32
      %dma_wait3A_62 = tpu.memref_slice %arg8[%add3A, %dma_wait3A] : memref<32x5248xf32, #tpu.memory_space<hbm>> -> memref<1x5248xf32, #tpu.memory_space<hbm>>
      %dma_wait3A_63 = tpu.memref_squeeze %dma_wait3A_62 : memref<1x5248xf32, #tpu.memory_space<hbm>> -> memref<5248xf32, #tpu.memory_space<hbm>>
      %dma_wait3A_64 = arith.constant 0 : i32
      %dma_wait3A_65 = tpu.memref_slice %arg8[%add3A, %dma_wait3A_64] : memref<32x5248xf32, #tpu.memory_space<hbm>> -> memref<1x5248xf32, #tpu.memory_space<hbm>>
      %dma_wait3A_66 = tpu.memref_squeeze %dma_wait3A_65 : memref<1x5248xf32, #tpu.memory_space<hbm>> -> memref<5248xf32, #tpu.memory_space<hbm>>
      tpu.wait_dma2 semaphore(%run_scoped3A : memref<!tpu.dma_semaphore, #tpu.memory_space<semaphore_mem>>) src(%arg12 : memref<5248xf32, #tpu.memory_space<vmem>>) dst(%dma_wait3A_66 : memref<5248xf32, #tpu.memory_space<hbm>>)
      tpu.yield
    }) : () -> ()
    return
  }
}

module attributes {stable_mosaic.version = 14 : i64} {
  func.func @_merge_body(%arg0: i32, %arg1: memref<1x1000x128xf32, #tpu.memory_space<vmem>>, %arg2: memref<1x1000x16xf32, #tpu.memory_space<vmem>>, %arg3: memref<1000x128xf32, #tpu.memory_space<vmem>>) attributes {dimension_semantics = [#tpu.dimension_semantics<arbitrary>], iteration_bounds = array<i64: 10>, scalar_prefetch = 0 : i64, scratch_operands = 0 : i64, tpu.core_type = #tpu.core_type<tc>, window_params = [{transform_indices = @transform_0, window_bounds = array<i64: 1, 1000, 128>}, {transform_indices = @transform_1, window_bounds = array<i64: 1, 1000, 16>}, {transform_indices = @transform_2, window_bounds = array<i64: 1000, 128>}]} {
    %get3A = arith.constant 0 : index
    %get3A_0 = arith.constant 0 : index
    %get3A_1 = arith.constant 0 : index
    %get3A_2 = vector.load %arg2[%get3A, %get3A_0, %get3A_1] : memref<1x1000x16xf32, #tpu.memory_space<vmem>>, vector<1x1000x16xf32>
    %get3A_3 = vector.shape_cast %get3A_2 : vector<1x1000x16xf32> to vector<1000x16xf32>
    %reduce_sum3A = arith.constant dense<0.000000e+00> : vector<1000xf32>
    %reduce_sum3A_4 = vector.multi_reduction <add>, %get3A_3, %reduce_sum3A [1] : vector<1000x16xf32> to vector<1000xf32>
    %broadcast_in_dim3A = vector.shape_cast %reduce_sum3A_4 : vector<1000xf32> to vector<1000x1xf32>
    %get3A_5 = arith.constant 0 : index
    %get3A_6 = arith.constant 0 : index
    %get3A_7 = arith.constant 0 : index
    %get3A_8 = vector.load %arg1[%get3A_5, %get3A_6, %get3A_7] : memref<1x1000x128xf32, #tpu.memory_space<vmem>>, vector<1x1000x128xf32>
    %get3A_9 = vector.shape_cast %get3A_8 : vector<1x1000x128xf32> to vector<1000x128xf32>
    %max3A = arith.constant 1.000000e+00 : f32
    %max3A_10 = vector.broadcast %max3A : f32 to vector<1000x1xf32>
    %max3A_11 = arith.maximumf %broadcast_in_dim3A, %max3A_10 : vector<1000x1xf32>
    %div3A = vector.broadcast %max3A_11 : vector<1000x1xf32> to vector<1000x128xf32>
    %div3A_12 = arith.divf %get3A_9, %div3A : vector<1000x128xf32>
    %swap3A = arith.constant 0 : index
    %swap3A_13 = arith.constant 0 : index
    %swap3A_14 = vector.load %arg3[%swap3A, %swap3A_13] : memref<1000x128xf32, #tpu.memory_space<vmem>>, vector<1000x128xf32>
    tpu.vector_store %arg3[%swap3A, %swap3A_13], %div3A_12 {strides = array<i32>} : memref<1000x128xf32, #tpu.memory_space<vmem>>, vector<1000x128xf32>,
    return
  }
  func.func @transform_0(%arg0: i32) -> (i32, i32, i32) {
    %jit3A = arith.constant 5 : i32
    %div3A = arith.divsi %arg0, %jit3A : i32
    %sign3A = arith.constant 0 : i32
    %sign3A_0 = arith.cmpi sgt, %arg0, %sign3A : i32
    %sign3A_1 = arith.extui %sign3A_0 : i1 to i32
    %sign3A_2 = arith.constant 0 : i32
    %sign3A_3 = arith.cmpi slt, %arg0, %sign3A_2 : i32
    %sign3A_4 = arith.extui %sign3A_3 : i1 to i32
    %sign3A_5 = arith.subi %sign3A_1, %sign3A_4 : i32
    %sign3A_6 = arith.constant 0 : i32
    %sign3A_7 = arith.cmpi sgt, %jit3A, %sign3A_6 : i32
    %sign3A_8 = arith.extui %sign3A_7 : i1 to i32
    %sign3A_9 = arith.constant 0 : i32
    %sign3A_10 = arith.cmpi slt, %jit3A, %sign3A_9 : i32
    %sign3A_11 = arith.extui %sign3A_10 : i1 to i32
    %sign3A_12 = arith.subi %sign3A_8, %sign3A_11 : i32
    %ne3A = arith.cmpi ne, %sign3A_5, %sign3A_12 : i32
    %rem3A = arith.remsi %arg0, %jit3A : i32
    %ne3A_13 = arith.constant 0 : i32
    %ne3A_14 = arith.cmpi ne, %rem3A, %ne3A_13 : i32
    %and3A = arith.andi %ne3A, %ne3A_14 : i1
    %sub3A = arith.constant 1 : i32
    %sub3A_15 = arith.subi %div3A, %sub3A : i32
    %select_n3A = arith.select %and3A, %sub3A_15, %div3A : i32
    %jit3A_16 = arith.constant 5 : i32
    %eq3A = arith.constant 0 : i32
    %eq3A_17 = arith.cmpi eq, %jit3A_16, %eq3A : i32
    %jit3A_18 = arith.constant 1 : i32
    %select_n3A_19 = arith.select %eq3A_17, %jit3A_18, %jit3A_16 : i32
    %rem3A_20 = arith.remsi %arg0, %select_n3A_19 : i32
    %ne3A_21 = arith.constant 0 : i32
    %ne3A_22 = arith.cmpi ne, %rem3A_20, %ne3A_21 : i32
    %lt3A = arith.constant 0 : i32
    %lt3A_23 = arith.cmpi slt, %rem3A_20, %lt3A : i32
    %lt3A_24 = arith.constant 0 : i32
    %lt3A_25 = arith.cmpi slt, %select_n3A_19, %lt3A_24 : i32
    %ne3A_26 = arith.xori %lt3A_23, %lt3A_25 : i1
    %and3A_27 = arith.andi %ne3A_26, %ne3A_22 : i1
    %add3A = arith.addi %rem3A_20, %select_n3A_19 : i32
    %select_n3A_28 = arith.select %and3A_27, %add3A, %rem3A_20 : i32
    %c0_i32 = arith.constant 0 : i32
    %c0_i32_29 = arith.constant 0 : i32
    return %select_n3A, %select_n3A_28, %c0_i32 : i32, i32, i32
  }
  func.func @transform_1(%arg0: i32) -> (i32, i32, i32) {
    %jit3A = arith.constant 5 : i32
    %div3A = arith.divsi %arg0, %jit3A : i32
    %sign3A = arith.constant 0 : i32
    %sign3A_0 = arith.cmpi sgt, %arg0, %sign3A : i32
    %sign3A_1 = arith.extui %sign3A_0 : i1 to i32
    %sign3A_2 = arith.constant 0 : i32
    %sign3A_3 = arith.cmpi slt, %arg0, %sign3A_2 : i32
    %sign3A_4 = arith.extui %sign3A_3 : i1 to i32
    %sign3A_5 = arith.subi %sign3A_1, %sign3A_4 : i32
    %sign3A_6 = arith.constant 0 : i32
    %sign3A_7 = arith.cmpi sgt, %jit3A, %sign3A_6 : i32
    %sign3A_8 = arith.extui %sign3A_7 : i1 to i32
    %sign3A_9 = arith.constant 0 : i32
    %sign3A_10 = arith.cmpi slt, %jit3A, %sign3A_9 : i32
    %sign3A_11 = arith.extui %sign3A_10 : i1 to i32
    %sign3A_12 = arith.subi %sign3A_8, %sign3A_11 : i32
    %ne3A = arith.cmpi ne, %sign3A_5, %sign3A_12 : i32
    %rem3A = arith.remsi %arg0, %jit3A : i32
    %ne3A_13 = arith.constant 0 : i32
    %ne3A_14 = arith.cmpi ne, %rem3A, %ne3A_13 : i32
    %and3A = arith.andi %ne3A, %ne3A_14 : i1
    %sub3A = arith.constant 1 : i32
    %sub3A_15 = arith.subi %div3A, %sub3A : i32
    %select_n3A = arith.select %and3A, %sub3A_15, %div3A : i32
    %jit3A_16 = arith.constant 5 : i32
    %eq3A = arith.constant 0 : i32
    %eq3A_17 = arith.cmpi eq, %jit3A_16, %eq3A : i32
    %jit3A_18 = arith.constant 1 : i32
    %select_n3A_19 = arith.select %eq3A_17, %jit3A_18, %jit3A_16 : i32
    %rem3A_20 = arith.remsi %arg0, %select_n3A_19 : i32
    %ne3A_21 = arith.constant 0 : i32
    %ne3A_22 = arith.cmpi ne, %rem3A_20, %ne3A_21 : i32
    %lt3A = arith.constant 0 : i32
    %lt3A_23 = arith.cmpi slt, %rem3A_20, %lt3A : i32
    %lt3A_24 = arith.constant 0 : i32
    %lt3A_25 = arith.cmpi slt, %select_n3A_19, %lt3A_24 : i32
    %ne3A_26 = arith.xori %lt3A_23, %lt3A_25 : i1
    %and3A_27 = arith.andi %ne3A_26, %ne3A_22 : i1
    %add3A = arith.addi %rem3A_20, %select_n3A_19 : i32
    %select_n3A_28 = arith.select %and3A_27, %add3A, %rem3A_20 : i32
    %c0_i32 = arith.constant 0 : i32
    %c0_i32_29 = arith.constant 0 : i32
    return %select_n3A, %select_n3A_28, %c0_i32 : i32, i32, i32
  }
  func.func @transform_2(%arg0: i32) -> (i32, i32) {
    %c0_i32 = arith.constant 0 : i32
    %c0_i32_0 = arith.constant 0 : i32
    return %arg0, %c0_i32 : i32, i32
  }
}

module attributes {stable_mosaic.version = 14 : i64} {
  func.func @_mm_body(%arg0: i32, %arg1: memref<1280x128xf32, #tpu.memory_space<vmem>>, %arg2: memref<128x128xf32, #tpu.memory_space<vmem>>, %arg3: memref<1x128xf32, #tpu.memory_space<vmem>>, %arg4: memref<1280x128xf32, #tpu.memory_space<vmem>>) attributes {dimension_semantics = [#tpu.dimension_semantics<arbitrary>], iteration_bounds = array<i64: 250>, scalar_prefetch = 0 : i64, scratch_operands = 0 : i64, tpu.core_type = #tpu.core_type<tc>, window_params = [{transform_indices = @transform_0, window_bounds = array<i64: 1280, 128>}, {pipeline_mode = #tpu.pipeline_mode<synchronous>, transform_indices = @transform_1, window_bounds = array<i64: 128, 128>}, {pipeline_mode = #tpu.pipeline_mode<synchronous>, transform_indices = @transform_2, window_bounds = array<i64: 1, 128>}, {transform_indices = @transform_3, window_bounds = array<i64: 1280, 128>}]} {
    %get3A = arith.constant 0 : index
    %get3A_0 = arith.constant 0 : index
    %get3A_1 = vector.load %arg1[%get3A, %get3A_0] : memref<1280x128xf32, #tpu.memory_space<vmem>>, vector<1280x128xf32>
    %get3A_2 = arith.constant 0 : index
    %get3A_3 = arith.constant 0 : index
    %get3A_4 = vector.load %arg2[%get3A_2, %get3A_3] : memref<128x128xf32, #tpu.memory_space<vmem>>, vector<128x128xf32>
    %dot_general3A = arith.constant dense<0.000000e+00> : vector<1280x128xf32>
    %dot_general3A_5 = tpu.matmul %get3A_1, %get3A_4, %dot_general3A {dimension_numbers = #tpu.dot_dimension_numbers<[1], [0], [0], [1], [0, 0, 1, 1], [], []>, transpose_lhs_hint = false} : vector<1280x128xf32>, vector<128x128xf32>, vector<1280x128xf32> -> vector<1280x128xf32>
    %get3A_6 = arith.constant 0 : index
    %get3A_7 = arith.constant 0 : index
    %get3A_8 = vector.load %arg3[%get3A_6, %get3A_7] : memref<1x128xf32, #tpu.memory_space<vmem>>, vector<1x128xf32>
    %add3A = vector.broadcast %get3A_8 : vector<1x128xf32> to vector<1280x128xf32>
    %add3A_9 = arith.addf %dot_general3A_5, %add3A : vector<1280x128xf32>
    %max3A = arith.constant 0.000000e+00 : f32
    %max3A_10 = vector.broadcast %max3A : f32 to vector<1280x128xf32>
    %max3A_11 = arith.maximumf %add3A_9, %max3A_10 : vector<1280x128xf32>
    %swap3A = arith.constant 0 : index
    %swap3A_12 = arith.constant 0 : index
    %swap3A_13 = vector.load %arg4[%swap3A, %swap3A_12] : memref<1280x128xf32, #tpu.memory_space<vmem>>, vector<1280x128xf32>
    tpu.vector_store %arg4[%swap3A, %swap3A_12], %max3A_11 {strides = array<i32>} : memref<1280x128xf32, #tpu.memory_space<vmem>>, vector<1280x128xf32>,
    return
  }
  func.func @transform_0(%arg0: i32) -> (i32, i32) {
    %c0_i32 = arith.constant 0 : i32
    %c0_i32_0 = arith.constant 0 : i32
    return %arg0, %c0_i32 : i32, i32
  }
  func.func @transform_1(%arg0: i32) -> (i32, i32) {
    %c0_i32 = arith.constant 0 : i32
    %c0_i32_0 = arith.constant 0 : i32
    %c0_i32_1 = arith.constant 0 : i32
    return %c0_i32, %c0_i32_0 : i32, i32
  }
  func.func @transform_2(%arg0: i32) -> (i32, i32) {
    %c0_i32 = arith.constant 0 : i32
    %c0_i32_0 = arith.constant 0 : i32
    %c0_i32_1 = arith.constant 0 : i32
    return %c0_i32, %c0_i32_0 : i32, i32
  }
  func.func @transform_3(%arg0: i32) -> (i32, i32) {
    %c0_i32 = arith.constant 0 : i32
    %c0_i32_0 = arith.constant 0 : i32
    return %arg0, %c0_i32 : i32, i32
  }
}

</mosaic_0001>

<sc_bundles>
// kernel: kernel.5.cloned.1.call-start
scs
__scs_entry_jumppad:
0x0: {  	(pc) =	sbr.rel $0x88, $3  }
0x1: {  	(tag) =	ssettag $0x0;
	lr =	simm.s32 $0x1  }
0x2: {  	[smem:$0x3F9D] =	sst lr;
	_ =	strace $0xD0000000  }
0x3: {  	_ = 	snop  }
0x4: {  	_ = 	snop  }
0x5: {  	_ = 	snop  }
0x6: {  	_ = 	snop  }
0x7: {  	_ = 	snop  }
__scs_overlays_trampoline_lowered:
0x8: {  	[smem:$0x3FAC] =	sst s0  }
0x9: {  	[smem:$0x3FAD] =	sst s1  }
0xa: {  	[smem:$0x3FAE] =	sst s2  }
0xb: {  	[smem:$0x3FAF] =	sst s3  }
0xc: {  	[smem:$0x3FB0] =	sst s4  }
0xd: {  	[smem:$0x3FB1] =	sst s5  }
0xe: {  	[smem:$0x3FB2] =	sst s6  }
0xf: {  	[smem:$0x3FB3] =	sst s7  }
0x10: {  	[smem:$0x3FB4] =	sst s8  }
0x11: {  	[smem:$0x3FB5] =	sst s9;
	s0 =	simm.s32 @!p0 $0x0  }
0x12: {  	s1 =	sld [smem:$0x3F9B];
	s0 =	simm.s32 @p0 $0x1  }
0x13: {  	[smem:$0x3FB6] =	sst s0;
	s0 =	simm.s32 @!p1 $0x0  }
0x14: {  	s2 =	sld [smem:$0x3F9A];
	s0 =	simm.s32 @p1 $0x1  }
0x15: {  	[smem:$0x3FB7] =	sst s0;
	s0 =	simm.s32 @!p2 $0x0  }
0x16: {  	s3 =	sld [smem:$0x3FDB];
	s0 =	simm.s32 @p2 $0x1  }
0x17: {  	s4 =	simm.s32 $0x1BF5;
	[smem:$0x3FB9] =	sst s0  }
0x18: {  	s0 =	sld [smem:$0x3F9C];
	_ =	swait.ge [sflag:s4], $0x0  }
0x19: {  	s7 =	sld [smem:$0x3F9D]  }
0x1a: {  	s8 =	sadd.s32 $0xFFFFE003, lr  }
0x1b: {  	s9 =	sadd.s32 $0xFFFFFEF7, lr;
	s5 =	simm.s32 $0xFFFFFFFF;
	p2 =	slt.u32 s8, $0xFFFFF086  }
0x1c: {  	p1 =	slt.u32 s9, $0xF7A;
	s5 =	simm.s32 @!p2 $0x0  }
0x1d: {  	s5 =	simm.s32 @p1 $0x1;
	p0 =	seq.s32 s7, s2  }
0x1e: {  	s7 =	smul.u32 @!p0 $0xF7A, s2;
	p2 =	seq.s32 @!p0 s5, $0x0  }
0x1f: {  	s9 =	smul.u32 $0xF7A, s1;
	s8 =	simm.s32 @!p0 $0x1BF5;
	p2 =	por !p2, p0  }
0x20: {  	[sflag:s8] =	ssyncset.s32 @!p0 $0xFFFFF086;
	s6 =	sadd.s32 @!p0 s3, s7;
	s7 =	simm.s32 @!p0 $0x108  }
0x21: {  	s3 =	sadd.s32 s3, s9;
	s6 =	sadd.s32 @!p0 $0x88, s6;
	s7 =	simm.s32 @p2 $0x1082  }
0x22: {  	[simem:s7], [sflag:s8] =	dma.local @!p0 [hbm:s6], $0xF7A  }
0x23: {  	s9 =	sor.u32 $0xD0000000, s2;
	s6 =	simm.s32 $0x108;
	_ =	swait.ge @!p0 [sflag:s8], $0x0  }
0x24: {  	s3 =	sadd.s32 $0x88, s3;
	s6 =	simm.s32 @!p1 $0x1082;
	[sflag:s4] =	ssyncset.s32 $0xFFFFF086  }
0x25: {  	[simem:s6], [sflag:s4] =	dma.local [hbm:s3], $0xF7A  }
0x26: {  	[smem:$0x3F9D] =	sst s1;
	(tag) =	ssettag s2;
	_ =	strace s9  }
0x27: {  	s1 =	sld [smem:$0x3FAD]  }
0x28: {  	s2 =	sld [smem:$0x3FAE]  }
0x29: {  	s4 =	sld [smem:$0x3FB0]  }
0x2a: {  	p0 =	seq.s32 s5, $0x0;
	s5 =	sld [smem:$0x3FB1]  }
0x2b: {  	s6 =	sld [smem:$0x3FB2]  }
0x2c: {  	s7 =	sld [smem:$0x3FB3]  }
0x2d: {  	s3 =	simm.s32 $0x108;
	s8 =	sld [smem:$0x3FB4]  }
0x2e: {  	s3 =	simm.s32 @!p0 $0x1082;
	s9 =	sld [smem:$0x3FB5]  }
0x2f: {  	lr =	sadd.s32 s0, s3;
	s0 =	sld [smem:$0x3FAC]  }
0x30: {  	s3 =	sld [smem:$0x3FAF]  }
0x31: {  	[smem:$0x3FB8] =	sst s10  }
0x32: {  	s10 =	sld [smem:$0x3FB6];
	_ =	sdelay $0x3  }
0x33: {  	p0 =	seq.s32 s10, $0x1;
	s10 =	sld [smem:$0x3FB8];
	_ =	sdelay $0x3  }
0x34: {  	[smem:$0x3FB8] =	sst s10  }
0x35: {  	s10 =	sld [smem:$0x3FB7];
	_ =	sdelay $0x3  }
0x36: {  	p1 =	seq.s32 s10, $0x1;
	s10 =	sld [smem:$0x3FB8];
	_ =	sdelay $0x3  }
0x37: {  	[smem:$0x3FB8] =	sst s10  }
0x38: {  	s10 =	sld [smem:$0x3FB9]  }
0x39: {  	_ = 	snop;
	(pc) =	sbr.ind lr, $3  }
0x3a: {  	_ = 	snop  }
0x3b: {  	_ = 	snop  }
0x3c: {  	p2 =	seq.s32 s10, $0x1;
	s10 =	sld [smem:$0x3FB8]  }
0x3d: {  	_ =	shalt  }
0x3e: {  	_ =	shalt  }
0x3f: {  	_ =	shalt  }
0x40: {  	_ =	shalt  }
0x41: {  	_ =	shalt  }
0x42: {  	_ =	shalt  }
0x43: {  	_ =	shalt  }
0x44: {  	_ =	shalt  }
0x45: {  	_ =	shalt  }
0x46: {  	_ =	shalt  }
0x47: {  	_ =	shalt  }
0x48: {  	_ =	shalt  }
0x49: {  	_ =	shalt  }
0x4a: {  	_ =	shalt  }
0x4b: {  	_ =	shalt  }
0x4c: {  	_ =	shalt  }
0x4d: {  	_ =	shalt  }
0x4e: {  	_ =	shalt  }
0x4f: {  	_ =	shalt  }
0x50: {  	_ =	shalt  }
0x51: {  	_ =	shalt  }
0x52: {  	_ =	shalt  }
0x53: {  	_ =	shalt  }
0x54: {  	_ =	shalt  }
0x55: {  	_ =	shalt  }
0x56: {  	_ =	shalt  }
0x57: {  	_ =	shalt  }
0x58: {  	_ =	shalt  }
0x59: {  	_ =	shalt  }
0x5a: {  	_ =	shalt  }
0x5b: {  	_ =	shalt  }
0x5c: {  	_ =	shalt  }
0x5d: {  	_ =	shalt  }
0x5e: {  	_ =	shalt  }
0x5f: {  	_ =	shalt  }
0x60: {  	_ =	shalt  }
0x61: {  	_ =	shalt  }
0x62: {  	_ =	shalt  }
0x63: {  	_ =	shalt  }
0x64: {  	_ =	shalt  }
0x65: {  	_ =	shalt  }
0x66: {  	_ =	shalt  }
0x67: {  	_ =	shalt  }
0x68: {  	_ =	shalt  }
0x69: {  	_ =	shalt  }
0x6a: {  	_ =	shalt  }
0x6b: {  	_ =	shalt  }
0x6c: {  	_ =	shalt  }
0x6d: {  	_ =	shalt  }
0x6e: {  	_ =	shalt  }
0x6f: {  	_ =	shalt  }
0x70: {  	_ =	shalt  }
0x71: {  	_ =	shalt  }
0x72: {  	_ =	shalt  }
0x73: {  	_ =	shalt  }
0x74: {  	_ =	shalt  }
0x75: {  	_ =	shalt  }
0x76: {  	_ =	shalt  }
0x77: {  	_ =	shalt  }
0x78: {  	_ =	shalt  }
0x79: {  	_ =	shalt  }
0x7a: {  	_ =	shalt  }
0x7b: {  	_ =	shalt  }
0x7c: {  	_ =	shalt  }
0x7d: {  	_ =	shalt  }
0x7e: {  	_ =	shalt  }
0x7f: {  	_ =	shalt  }
0x80: {  	_ =	shalt  }
0x81: {  	_ =	shalt  }
0x82: {  	_ =	shalt  }
0x83: {  	_ =	shalt  }
0x84: {  	_ =	shalt  }
0x85: {  	_ =	shalt  }
0x86: {  	_ =	shalt  }
0x87: {  	_ =	shalt  }
.Lfunc_end0:
.L_simem_size_0:
called_computation_lowered:
.L_overlay_start_0:
0x88: {  	s2 =	sld [smem:$0x3FD9]  }
0x89: {  	s3 =	sld [smem:$0x3FFE];
	_ =	sdelay $0x1  }
0x8a: {  	s1 =	srdreg.scid  }
0x8b: {  	s0 =	sand.u32 $0x1, s1  }
0x8c: {  	s17 =	sshll.u32 s0, $0xA;
	s2 =	sadd.s32 s3, s2  }
0x8d: {  	s2 =	sadd.s32 s2, s17  }
0x8e: {  	[smem:$0x3FC4] =	sst s2  }
0x8f: {  	_ = 	snop  }
0x90: {  	s2 =	sld [smem:$0x3FC8]  }
0x91: {  	s18 =	sld [smem:$0x3FD0];
	(tm) =	ssettm $0x1  }
0x92: {  	s4 =	sld [smem:$0x3FFB];
	_ =	sdelay $0x3  }
0x93: {  	_ =	strace s4  }
0x94: {  	s4 =	sld [smem:$0x3FFC];
	_ =	sdelay $0x3  }
0x95: {  	_ =	strace s4  }
0x96: {  	s4 =	sld [smem:$0x3FFD];
	_ =	sdelay $0x3  }
0x97: {  	_ =	strace s4  }
0x98: {  	_ =	strace $0x8FFFFFFF  }
0x99: {  	s19 =	sld [smem:$0x3FDB];
	_ =	sdelay $0x1  }
0x9a: {  	s5 =	simm.s32 $_scs_section_size  }
0x9b: {  	s6 =	simm.s32 $_size__tile_overlayer_lowered;
	s7 =	simm.s32 $_tile_overlayer_lowered  }
0x9c: {  	s22 =	simm.s32 $0x1BFF;
	s21 =	sshll.u32 s7, $0x1;
	s4 =	sadd.s32 s5, s19  }
0x9d: {  	s8 =	simm.s32 $0x0;
	s20 =	sshll.u32 s6, $0x1;
	s6 =	sadd.s32 s21, s4  }
0x9e: {  	[timem:s8], [sflag:s22] =	dma.local [hbm:s6], s20  }
0x9f: {  	_ =	swait.ge [sflag:s22], s20  }
0xa0: {  	s5 =	ssub.s32 $0x0, s20;
	[sflag:s22] =	ssyncset.done $0x0  }
0xa1: {  	[sflag:s22] =	ssyncadd.s32 s5;
	_ =	sdelay $0x1  }
0xa2: {  	s23 =	simm.s32 $0x1B8B  }
0xa3: {  	_ =	swait.ge [sflag:s23], $0x1  }
0xa4: {  	[sflag:s23] =	ssyncset.done $0x0  }
0xa5: {  	s25 =	simm.s32 $0x1B8E;
	s24 =	sld [smem:$0x3FFE];
	[sflag:s23] =	ssyncadd.s32 $0xFFFFFFFF  }
0xa6: {  	s26 =	simm.s32 $execute0_lowered;
	[smem:$0x3FD2] =	sst s25  }
0xa7: {  	s6 =	sshll.u32 s26, $0x1;
	_ =	strace $0x80000046;
	[dreg:$0x1] =	wrdreg $0xFFFFFFFF  }
0xa8: {  	s28 =	simm.s32 $_size_execute0_lowered;
	s4 =	sadd.s32 s4, s6;
	[dreg:$0x0] =	wrdreg $0x0  }
0xa9: {  	s6 =	sshll.u32 s28, $0x1;
	[dreg:$0x2] =	wrdreg s4  }
0xaa: {  	[dreg:$0x3] =	wrdreg s6  }
0xab: {  	[dreg:$0x4] =	wrdreg $0xC0  }
0xac: {  	_ =	task [dreg:s8], $0x5FFFF  }
0xad: {  	[dreg:$0x1] =	wrdreg $0xFFFFFFFF  }
0xae: {  	[dreg:$0x0] =	wrdreg $0x60  }
0xaf: {  	[dreg:$0x2] =	wrdreg s24  }
0xb0: {  	[dreg:$0x3] =	wrdreg s2  }
0xb1: {  	[dreg:$0x4] =	wrdreg s18  }
0xb2: {  	[dreg:$0x5] =	wrdreg $0x0  }
0xb3: {  	[dreg:$0x6] =	wrdreg $0x9  }
0xb4: {  	_ =	task.clear_ibuf [dreg:s8], $0x7FFFF;
	_ =	strace $0x90000046  }
0xb5: {  	s29 =	simm.s32 $0x9;
	_ =	strace $0x80000048  }
0xb6: {  	_ =	swait.ge [sflag:s29], $0x1  }
0xb7: {  	[sflag:s29] =	ssyncadd.s32 $0xFFFFFFFF  }
0xb8: {  	_ =	strace $0x90000048  }
0xb9: {  	_ =	sfence  }
0xba: {  	s30 =	sld [smem:$0x0];
	_ =	sdelay $0x2  }
0xbb: {  	s31 =	sshll.u32 s1, $0xD;
	s1 =	sshrl.u32 s1, $0x2  }
0xbc: {  	s3 =	sand.u32 $0x4000, s31;
	s1 =	sadd.s32 s1, s30  }
0xbd: {  	s0 =	sor.u32 s3, s0;
	s1 =	sshll.u32 s1, $0x11  }
0xbe: {  	s0 =	sor.u32 s1, s0  }
0xbf: {  	s0 =	sadd.s32 $0x8F2B, s0  }
0xc0: {  	[sflag:s0] =	ssyncadd.remote.s32 $0x1  }
0xc1: {  	_ =	sfence.sel $0xFFFF  }
0xc2: {  	[dreg:$0x0] =	wrdreg $0xFFFFFFFF;
	(pc) =	sbr.abs _section_cstart, $3  }
0xc3: {  	[dreg:$0x1] =	wrdreg $0xFFFFFFFF  }
0xc4: {  	_ =	task.clear_ibuf [dreg:s8], $0x2FFFF;
	_ =	strace $0x9FFFFFFF  }
0xc5: {  	(tm) =	ssettm $0x7FFFFFFF  }
tec
execute0_lowered:
.L_overlay_start_1:
0x0: {  	(tag) =	ssettag $0x1  }
0x1: {  	s8 =	rddreg [dreg:$0x0]  }
0x2: {  	s1 =	rddreg [dreg:$0x1]  }
0x3: {  	s18 =	rddreg [dreg:$0x2]  }
0x4: {  	s0 =	srdreg.scid;
	s3 =	rddreg [dreg:$0x3];
	s4 =	simm.s32 $0x0  }
0x5: {  	s25 =	simm.s32 $0x80;
	s10 =	sand.u32 $0x1, s0;
	s0 =	stileid.u32  }
0x6: {  	s28 =	simm.s32 $0x0;
	[smem:$0x7FF] =	sst s4;
	s12 =	smul.u32 $0x28000, s0  }
0x7: {  	s7 =	sadd.s32 $0x1800, s8;
	s17 =	sadd.s32 $0x1C00, s8;
	s14 =	smul.u32 $0xA000, s0  }
0x8: {  	s2 =	sshll.u32 s10, $0x4;
	s26 =	sshll.u32 s0, $0x7;
	s22 =	smul.u32 $0x1388, s10  }
0x9: {  	_ =	strace $0x80000047;
	s11 =	ssub.s32 $0x2, s10;
	s21 =	smul.u32 $0xA0000, s10  }
0xa: {  	s2 =	sor.u32 s0, s2;
	s16 =	sand.u32 $0x380, s26;
	s29 =	sshrl.u32 s11, $0x1  }
0xb: {  	s26 =	simm.s32 $0x400;
	s13 =	sshrl.u32 s2, $0x3;
	s19 =	ssub.s32 s11, s29  }
0xc: {  	s30 =	sshrl.u32 s12, $0x2;
	s15 =	sadd.s32 $0x2800, s14;
	s20 =	sadd.s32 $0x5000, s14  }
0xd: {  	s23 =	sadd.s32 $0x7800, s14;
	s14 =	sadd.s32 s14, s21;
	v0 =	vmov s22;
	s22 =	simm.s32 $0xE480  }
0xe: {  	s5 =	sshll.u32 s13, $0xA;
	s10 =	sadd.s32 s15, s3;
	s11 =	sadd.s32 s20, s3  }
0xf: {  	s12 =	sadd.s32 s23, s3;
	s15 =	sadd.s32 s21, s15;
	s14 =	sshrl.u32 s14, $0x3  }
0x10: {  	s24 =	smul.u32 $0xA400, s13;
	s13 =	sadd.s32 $0xA0000, s3;
	s20 =	sadd.s32 s21, s20  }
0x11: {  	s21 =	sadd.s32 s21, s23;
	s19 =	smax.u32 s19, $0x1;
	s23 =	simm.s32 $0xA480  }
0x12: {  	s5 =	sor.u32 s16, s5;
	s15 =	sshrl.u32 s15, $0x3;
	s14 =	sadd.s32 s17, s14  }
0x13: {  	s20 =	sshrl.u32 s20, $0x3;
	s21 =	sshrl.u32 s21, $0x3;
	s6 =	sshrl.u32 s5, $0x3  }
.Ltmp0:
0x14: {  	s5 =	sadd.s32 $0x4E3200, s8;
	s15 =	sadd.s32 s17, s15;
	(pc) =	sbr.rel .LBB2_1-.Ltmp0, $4  }
0x15: {  	s16 =	sor.u32 s16, s24;
	s24 =	simm.s32 $0xA400;
	s9 =	sadd.s32 s6, s8  }
0x16: {  	s6 =	sadd.s32 $0x1000, s8;
	s31 =	sshrl.u32 s16, $0x3;
	s16 =	sadd.s32 s17, s20  }
0x17: {  	s17 =	sadd.s32 s17, s21;
	s20 =	simm.s32 $0xF900;
	s21 =	simm.s32 $0x1  }
0x18: {  	vm0 =	vmmov $0x1;
	vm1 =	vcmask $0x308;
	v1 =	vimm.f32 $1.000000000e+00;
	s8 =	sadd.s32 $0xE00, s9;
	s9 =	sadd.s32 s30, s3;
	s18 =	sadd.s32 s18, s31  }
.LBB2_4:
0x19: {  	[bflag:$0x0] =	sbarrier.arrive $0xFFFF  }
0x1a: {  	[tilespmem:s23], [sflag:$0x1] =	stream.linear.gather [spmem:s9], $0x2800, $0x38;
	[tilespmem:$0xF980] =	vst v63  }
0x1b: {  	_ =	swait.ge [sflag:s21], $0x2800  }
0x1c: {  	[sflag:s21] =	ssyncset.done $0x0  }
0x1d: {  	[sflag:s21] =	ssyncadd.s32 $0xFFFFD800  }
0x1e: {  	[hbm4b:s14+s4] =	stream.linear.scatter [tilespmem:s23], [sflag:$0x1], $0x2800, $0x38;
	[tilespmem:$0xF980] =	vst v63  }
0x1f: {  	_ =	swait.ge [sflag:s21], $0x2800  }
0x20: {  	[sflag:s21] =	ssyncset.done $0x0  }
0x21: {  	[sflag:s21] =	ssyncadd.s32 $0xFFFFD800  }
0x22: {  	[tilespmem:s23], [sflag:$0x1] =	stream.linear.gather [spmem:s10], $0x2800, $0x38;
	[tilespmem:$0xF980] =	vst v63  }
0x23: {  	_ =	swait.ge [sflag:s21], $0x2800  }
0x24: {  	[sflag:s21] =	ssyncset.done $0x0  }
0x25: {  	[sflag:s21] =	ssyncadd.s32 $0xFFFFD800  }
0x26: {  	[hbm4b:s15+s4] =	stream.linear.scatter [tilespmem:s23], [sflag:$0x1], $0x2800, $0x38;
	[tilespmem:$0xF980] =	vst v63  }
0x27: {  	_ =	swait.ge [sflag:s21], $0x2800  }
0x28: {  	[sflag:s21] =	ssyncset.done $0x0  }
0x29: {  	[sflag:s21] =	ssyncadd.s32 $0xFFFFD800  }
0x2a: {  	[tilespmem:s23], [sflag:$0x1] =	stream.linear.gather [spmem:s11], $0x2800, $0x38;
	[tilespmem:$0xF980] =	vst v63  }
0x2b: {  	_ =	swait.ge [sflag:s21], $0x2800  }
0x2c: {  	[sflag:s21] =	ssyncset.done $0x0  }
0x2d: {  	[sflag:s21] =	ssyncadd.s32 $0xFFFFD800  }
0x2e: {  	[hbm4b:s16+s4] =	stream.linear.scatter [tilespmem:s23], [sflag:$0x1], $0x2800, $0x38;
	[tilespmem:$0xF980] =	vst v63  }
0x2f: {  	_ =	swait.ge [sflag:s21], $0x2800  }
0x30: {  	[sflag:s21] =	ssyncset.done $0x0  }
0x31: {  	[sflag:s21] =	ssyncadd.s32 $0xFFFFD800  }
0x32: {  	[tilespmem:s23], [sflag:$0x1] =	stream.linear.gather [spmem:s12], $0x2800, $0x38;
	[tilespmem:$0xF980] =	vst v63  }
0x33: {  	_ =	swait.ge [sflag:s21], $0x2800  }
0x34: {  	[sflag:s21] =	ssyncset.done $0x0  }
0x35: {  	[sflag:s21] =	ssyncadd.s32 $0xFFFFD800  }
0x36: {  	[hbm4b:s17+s4] =	stream.linear.scatter [tilespmem:s23], [sflag:$0x1], $0x2800, $0x38;
	[tilespmem:$0xF980] =	vst v63  }
0x37: {  	s28 =	sadd.s32 $0x1, s28;
	_ =	swait.ge [sflag:s21], $0x2800  }
0x38: {  	p0 =	sne.s32 s28, s19;
	[sflag:s21] =	ssyncset.done $0x0  }
.Ltmp1:
0x39: {  	[sflag:s21] =	ssyncadd.s32 $0xFFFFD800;
	(pc) =	sbr.rel @!p0 .LBB2_5-.Ltmp1, $4  }
0x3a: {  	[hbm4b:s18+s25] =	stream.strided.scatter [tilespmem:s22], [sflag:$0x1], $0x1480, s26, s25, $0x38;
	[tilespmem:$0xF980] =	vst v63  }
0x3b: {  	_ =	swait.ge [sflag:s21], $0x1480  }
0x3c: {  	[sflag:s21] =	ssyncset.done $0x0  }
0x3d: {  	[sflag:s21] =	ssyncadd.s32 $0xFFFFEB80  }
.LBB2_1:
0x3e: {  	[tilespmem:s20], [sflag:$0x1] =	stream.linear.gather [hbm4b:s8+s4], $0x80, $0x38;
	[tilespmem:$0xF980] =	vst v63  }
0x3f: {  	_ =	swait.ge [sflag:s21], $0x80  }
0x40: {  	[sflag:s21] =	ssyncset.done $0x0  }
0x41: {  	[sflag:s21] =	ssyncadd.s32 $0xFFFFFF80  }
0x42: {  	v2 =	vld [tilespmem:$0xF900];
	_ =	sdelay $0x4  }
0x43: {  	v3 =	vnsel vm0, $0x0, v2  }
0x44: {  	v2 =	vsel vm1, $0x0, v2;
	(xrf0) =	vadd.scan.msk.s32 $0xffff, v3  }
0x45: {  	(xrf0) =	vadd.scan.msk.s32 $0xffff, v2;
	_ =	sdelay $0x4  }
0x46: {  	v2, _, _ =	vpop (xrf0)  }
0x47: {  	(v2sf) =	vpush v2, $0xF;
	v2, _, _ =	vpop (xrf0)  }
0x48: {  	(v2sf) =	vpush v2, $0xF;
	_ =	sdelay $0xc  }
0x49: {  	[tilespmem:s22], [sflag:$0x1] =	stream.linear.gather [hbm4b:s7+s4], $0x1480, $0x38;
	[tilespmem:$0xF980] =	vst v63  }
0x4a: {  	s31 =	spop (v2sf)  }
0x4b: {  	s29 =	spop (v2sf)  }
0x4c: {  	_ =	swait.ge [sflag:s21], $0x1480  }
0x4d: {  	[sflag:s21] =	ssyncset.done $0x0  }
0x4e: {  	[sflag:s21] =	ssyncadd.s32 $0xFFFFEB80  }
0x4f: {  	[tilespmem:s23], [sflag:$0x1] =	stream.linear.gather [hbm4b:s6+s4], $0x4000, $0x38;
	[tilespmem:$0xF980] =	vst v63  }
0x50: {  	_ =	swait.ge [sflag:s21], $0x4000  }
0x51: {  	[sflag:s21] =	ssyncset.done $0x0  }
0x52: {  	[sflag:s21] =	ssyncadd.s32 $0xFFFFC000  }
0x53: {  	[spmem:s9] =	stream.linear.scatter [tilespmem:s23], [sflag:$0x1], $0x2800, $0x38;
	[tilespmem:$0xF980] =	vst v63  }
0x54: {  	_ =	swait.ge [sflag:s21], $0x2800  }
0x55: {  	[sflag:s21] =	ssyncset.done $0x0  }
0x56: {  	[sflag:s21] =	ssyncadd.s32 $0xFFFFD800  }
0x57: {  	[spmem:s10] =	stream.linear.scatter [tilespmem:s23], [sflag:$0x1], $0x2800, $0x38;
	[tilespmem:$0xF980] =	vst v63  }
0x58: {  	_ =	swait.ge [sflag:s21], $0x2800  }
0x59: {  	[sflag:s21] =	ssyncset.done $0x0  }
0x5a: {  	[sflag:s21] =	ssyncadd.s32 $0xFFFFD800  }
0x5b: {  	[spmem:s11] =	stream.linear.scatter [tilespmem:s23], [sflag:$0x1], $0x2800, $0x38;
	[tilespmem:$0xF980] =	vst v63  }
0x5c: {  	_ =	swait.ge [sflag:s21], $0x2800  }
0x5d: {  	[sflag:s21] =	ssyncset.done $0x0  }
0x5e: {  	[sflag:s21] =	ssyncadd.s32 $0xFFFFD800  }
0x5f: {  	[spmem:s12] =	stream.linear.scatter [tilespmem:s23], [sflag:$0x1], $0x2800, $0x38;
	[tilespmem:$0xF980] =	vst v63  }
0x60: {  	_ =	swait.ge [sflag:s21], $0x2800  }
0x61: {  	[sflag:s21] =	ssyncset.done $0x0  }
0x62: {  	p0 =	slt.s32 s29, $0x1;
	[sflag:s21] =	ssyncadd.s32 $0xFFFFD800  }
0x63: {  	[spmem:s13] =	stream.linear.scatter [tilespmem:s23], [sflag:$0x1], $0x4000, $0x38;
	[tilespmem:$0xF980] =	vst v63  }
.Ltmp2:
0x64: {  	_ =	swait.ge [sflag:s21], $0x4000;
	(pc) =	sbr.rel @p0 .LBB2_4-.Ltmp2, $3  }
0x65: {  	[sflag:s21] =	ssyncset.done $0x0  }
0x66: {  	[sflag:s21] =	ssyncadd.s32 $0xFFFFC000  }
0x67: {  	[bflag:$0x0] =	sbarrier.arrive $0xFFFF;
	_ =	sdelay $0x1  }
0x68: {  	s30 =	sshll.u32 s31, $0xB;
	s31 =	sshll.u32 s31, $0x4  }
.LBB2_3:
0x69: {  	s2 =	sand.u32 $0x1FFFFFF0, s31  }
0x6a: {  	s2 =	sadd.s32 s1, s2  }
0x6b: {  	[tilespmem:s24], [sflag:$0x1] =	stream.linear.gather [hbm4b:s2+s4], $0x80, $0x38;
	[tilespmem:$0xF980] =	vst v63  }
0x6c: {  	_ =	swait.ge [sflag:s21], $0x80  }
0x6d: {  	s2 =	sand.u32 $0x1FFFF800, s30;
	[sflag:s21] =	ssyncset.done $0x0  }
0x6e: {  	s2 =	sadd.s32 s5, s2;
	[sflag:s21] =	ssyncadd.s32 $0xFFFFFF80  }
0x6f: {  	[tilespmem:s23], [sflag:$0x1] =	stream.linear.gather [hbm4b:s2+s4], $0x4000, $0x38;
	[tilespmem:$0xF980] =	vst v63  }
0x70: {  	_ =	swait.ge [sflag:s21], $0x4000  }
0x71: {  	[sflag:s21] =	ssyncset.done $0x0  }
0x72: {  	[sflag:s21] =	ssyncadd.s32 $0xFFFFC000  }
0x73: {  	v2 =	vld [tilespmem:$0xA400];
	_ =	sdelay $0x4  }
0x74: {  	v2 =	vsub.s32 v2, v0  }
0x75: {  	vm2 =	vlt.u32 v2, $0x1388  }
0x76: {  	v2 =	vnsel vm2, $0x1400, v2;
	_ =	sdelay $0x3  }
0x77: {  	[tilespmem:$0xA400] =	vst v2  }
0x78: {  	[tilespmem:v2+s22+$0x0] =	vst.idx.add.f32.msk $0xffff, v1  }
0x79: {  	v2 =	vld [tilespmem:$0xA410];
	_ =	sdelay $0x4  }
0x7a: {  	v2 =	vsub.s32 v2, v0  }
0x7b: {  	vm2 =	vlt.u32 v2, $0x1388  }
0x7c: {  	v2 =	vnsel vm2, $0x1400, v2;
	_ =	sdelay $0x3  }
0x7d: {  	[tilespmem:$0xA410] =	vst v2  }
0x7e: {  	[tilespmem:v2+s22+$0x0] =	vst.idx.add.f32.msk $0xffff, v1  }
0x7f: {  	v2 =	vld [tilespmem:$0xA420];
	_ =	sdelay $0x4  }
0x80: {  	v2 =	vsub.s32 v2, v0  }
0x81: {  	vm2 =	vlt.u32 v2, $0x1388  }
0x82: {  	v2 =	vnsel vm2, $0x1400, v2;
	_ =	sdelay $0x3  }
0x83: {  	[tilespmem:$0xA420] =	vst v2  }
0x84: {  	[tilespmem:v2+s22+$0x0] =	vst.idx.add.f32.msk $0xffff, v1  }
0x85: {  	v2 =	vld [tilespmem:$0xA430];
	_ =	sdelay $0x4  }
0x86: {  	v2 =	vsub.s32 v2, v0  }
0x87: {  	vm2 =	vlt.u32 v2, $0x1388  }
0x88: {  	v2 =	vnsel vm2, $0x1400, v2;
	_ =	sdelay $0x3  }
0x89: {  	[tilespmem:$0xA430] =	vst v2  }
0x8a: {  	[tilespmem:v2+s22+$0x0] =	vst.idx.add.f32.msk $0xffff, v1  }
0x8b: {  	v2 =	vld [tilespmem:$0xA440];
	_ =	sdelay $0x4  }
0x8c: {  	v2 =	vsub.s32 v2, v0  }
0x8d: {  	vm2 =	vlt.u32 v2, $0x1388  }
0x8e: {  	v2 =	vnsel vm2, $0x1400, v2;
	_ =	sdelay $0x3  }
0x8f: {  	[tilespmem:$0xA440] =	vst v2  }
0x90: {  	[tilespmem:v2+s22+$0x0] =	vst.idx.add.f32.msk $0xffff, v1  }
0x91: {  	v2 =	vld [tilespmem:$0xA450];
	_ =	sdelay $0x4  }
0x92: {  	v2 =	vsub.s32 v2, v0  }
0x93: {  	vm2 =	vlt.u32 v2, $0x1388  }
0x94: {  	v2 =	vnsel vm2, $0x1400, v2;
	_ =	sdelay $0x3  }
0x95: {  	[tilespmem:$0xA450] =	vst v2  }
0x96: {  	[tilespmem:v2+s22+$0x0] =	vst.idx.add.f32.msk $0xffff, v1  }
0x97: {  	v2 =	vld [tilespmem:$0xA460];
	_ =	sdelay $0x4  }
0x98: {  	v2 =	vsub.s32 v2, v0  }
0x99: {  	vm2 =	vlt.u32 v2, $0x1388  }
0x9a: {  	v2 =	vnsel vm2, $0x1400, v2;
	_ =	sdelay $0x3  }
0x9b: {  	[tilespmem:$0xA460] =	vst v2  }
0x9c: {  	[tilespmem:v2+s22+$0x0] =	vst.idx.add.f32.msk $0xffff, v1  }
0x9d: {  	v2 =	vld [tilespmem:$0xA470];
	_ =	sdelay $0x4  }
0x9e: {  	v2 =	vsub.s32 v2, v0  }
0x9f: {  	vm2 =	vlt.u32 v2, $0x1388  }
0xa0: {  	v2 =	vnsel vm2, $0x1400, v2;
	_ =	sdelay $0x3  }
0xa1: {  	p0 =	sne.s32 s29, $0x1;
	[tilespmem:$0xA470] =	vst v2  }
.Ltmp3:
0xa2: {  	[tilespmem:v2+s22+$0x0] =	vst.idx.add.f32.msk $0xffff, v1;
	(pc) =	sbr.rel @p0 .LBB2_3-.Ltmp3, $4  }
0xa3: {  	[spmem:s3] =	stream.indirect.scatter.add.f32 [tilespmem:s23], [sflag:$0x1], $0x80, s24, s25, $0xb8;
	[tilespmem:$0xF980] =	vst v63  }
0xa4: {  	_ =	swait.ge [sflag:s21], $0x4000  }
0xa5: {  	s31 =	sadd.s32 $0x10, s31;
	[sflag:s21] =	ssyncset.done $0x0  }
0xa6: {  	s29 =	sadd.s32 $0xFFFFFFFF, s29;
	s30 =	sadd.s32 $0x800, s30;
	[sflag:s21] =	ssyncadd.s32 $0xFFFFC000  }
.Ltmp4:
0xa7: {  	_ = 	snop;
	(pc) =	sbr.rel .LBB2_4-.Ltmp4, $1  }
0xa8: {  	_ =	sdelay $0x3  }
.LBB2_5:
0xa9: {  	_ =	sfence.sel $0x180000  }
0xaa: {  	[bflag:$0x0] =	sbarrier.arrive $0xFFFF  }
0xab: {  	_ =	strace $0x90000047  }
0xac: {  	[bflag:$0x2] =	sbarrier.arrive $0xFFFF  }
0xad: {  	p0 =	sne.s32 s0, $0x0;
	s0 =	rddreg [dreg:$0x4]  }
0xae: {  	s0 =	sadd.s32 @!p0 $0x100000, s0  }
0xaf: {  	[sflag:s0] =	ssyncadd.tile.s32 @!p0 $0x1;
	_ =	shalt  }
.Lfunc_end2:
_tile_overlayer_lowered:
.L_overlay_start_2:
0xb0: {  	(tag) =	ssettag $0x2  }
0xb1: {  	s0 =	rddreg [dreg:$0x0];
	s2 =	stileid.u32  }
0xb2: {  	s1 =	rddreg [dreg:$0x1];
	p0 =	sne.s32 s2, $0x0  }
0xb3: {  	s3 =	rddreg [dreg:$0x2];
	[bflag:$0x3] =	sbarrier.arrive $0xFFFF;
	s2 =	simm.s32 @!p0 $0x1C01  }
0xb4: {  	[timem:s3], [sflag:s2] =	dma.local @!p0 [hbm:s0], s1  }
0xb5: {  	s0 =	simm.s32 @!p0 $0x1  }
0xb6: {  	_ =	swait.ge @!p0 [sflag:s0], s1  }
0xb7: {  	s1 =	ssub.s32 @!p0 $0x0, s1;
	[sflag:s0] =	ssyncset.done @!p0 $0x0  }
0xb8: {  	[sflag:s0] =	ssyncadd.s32 @!p0 s1  }
0xb9: {  	[bflag:$0x3] =	sbarrier.arrive $0xFFFF  }
0xba: {  	_ =	shalt  }

</sc_bundles>
